<compile_context>
chip_gen: v7x
topology: tpu7x:2x2x1
jax: 0.10.2.dev20260603
libtpu: 0.0.44.dev20260713+nightly
codegen_flags: <defaults>
</compile_context>

<pallas_src>
import functools

import jax
import jax.numpy as jnp
from jax import lax
from jax.experimental import pallas as pl
from jax.experimental.pallas import tpu as pltpu
from jax.experimental.pallas import tpu_sc as plsc

_B = 1024
_NPAD = 5120
_D = 128


def _sc_gather(table, idx_flat):
    info = plsc.get_sparse_core_info()
    nw = info.num_cores * info.num_subcores
    btot = idx_flat.shape[0]
    b_per_w = btot // nw
    mesh = plsc.VectorSubcoreMesh(core_axis_name="c", subcore_axis_name="s")

    @functools.partial(
        pl.kernel,
        mesh=mesh,
        out_type=jax.ShapeDtypeStruct((btot, _D), jnp.float32),
        scratch_types=[
            pltpu.VMEM((b_per_w,), jnp.int32),
            pltpu.VMEM((b_per_w, _D), jnp.float32),
            pltpu.SemaphoreType.DMA,
        ],
    )
    def k(table_hbm, idx_hbm, out_hbm, idx_v, rows_v, sem):
        wid = lax.axis_index("s") * info.num_cores + lax.axis_index("c")
        base = wid * b_per_w
        pltpu.sync_copy(idx_hbm.at[pl.ds(base, b_per_w)], idx_v)
        pltpu.async_copy(table_hbm.at[idx_v], rows_v, sem).wait()
        pltpu.sync_copy(rows_v, out_hbm.at[pl.ds(base, b_per_w)])

    return k(table, idx_flat)


_SORT_PAIRS = [(0, 1), (2, 3), (4, 5), (6, 7), (0, 2), (1, 3), (4, 6), (5, 7),
               (1, 2), (5, 6), (0, 4), (1, 5), (2, 6), (3, 7), (2, 4), (3, 5),
               (1, 2), (3, 4), (5, 6)]


def _uniq_body(sam_ref, flag_ref):
    s = [sam_ref[j] for j in range(8)]
    for (a, b) in _SORT_PAIRS:
        lo = jnp.minimum(s[a], s[b])
        hi = jnp.maximum(s[a], s[b])
        s[a], s[b] = lo, hi
    uniq = s[1] != s[0]
    for j in range(2, 8):
        uniq = uniq & (s[j] != s[j - 1])
    bidx = (jax.lax.broadcasted_iota(jnp.int32, (8, 128), 0) * 128
            + jax.lax.broadcasted_iota(jnp.int32, (8, 128), 1))
    flag_ref[...] = jnp.where(uniq & (bidx < 1000),
                              jnp.float32(1.0), jnp.float32(0.0))


def _uniq_call(sam):
    return pl.pallas_call(
        _uniq_body,
        out_shape=jax.ShapeDtypeStruct((8, 128), jnp.float32),
    )(sam)


def _score_body(fu_ref, ct_ref, msk_ref, cnt_ref):
    def r(v):
        return v.astype(jnp.bfloat16).astype(jnp.float32)

    f = [fu_ref[:, j:j + 1] for j in range(9)]
    fb = [r(t) for t in f]
    flag = fu_ref[:, 9:10]
    x1 = ct_ref[0:1, :]
    y1 = ct_ref[1:2, :]
    x2 = ct_ref[2:3, :]
    y2 = ct_ref[3:4, :]
    x1b, y1b, x2b, y2b = r(x1), r(y1), r(x2), r(y2)
    fx0 = fb[0] * x1b + (fb[1] * y1b + fb[2])
    fx1 = fb[3] * x1b + (fb[4] * y1b + fb[5])
    fx2 = fb[6] * x1b + (fb[7] * y1b + fb[8])
    ft0 = fb[0] * x2b + (fb[3] * y2b + fb[6])
    ft1 = fb[1] * x2b + (fb[4] * y2b + fb[7])
    e = x2 * fx0 + y2 * fx1 + fx2
    den = fx0 * fx0 + fx1 * fx1 + ft0 * ft0 + ft1 * ft1 + jnp.float32(1e-12)
    err = (e * e) / den
    inl = err <= jnp.float32(0.5)
    msk_ref[...] = inl.astype(jnp.int8)
    lane_ok = jax.lax.broadcasted_iota(jnp.int32, (128, _NPAD), 1) < 5000
    cnt = jnp.sum((inl & lane_ok).astype(jnp.int32), axis=1, keepdims=True)
    cnt = jnp.where(flag > jnp.float32(0.5), cnt, jnp.int32(-1))
    cnt_ref[...] = jnp.broadcast_to(cnt, (128, 128))


def _score_call(fut, ct):
    return pl.pallas_call(
        _score_body,
        grid=(_B // 128,),
        in_specs=[pl.BlockSpec((128, 128), lambda i: (i, 0)),
                  pl.BlockSpec((8, _NPAD), lambda i: (0, 0))],
        out_specs=[pl.BlockSpec((128, _NPAD), lambda i: (i, 0)),
                   pl.BlockSpec((128, 128), lambda i: (i, 0))],
        out_shape=[jax.ShapeDtypeStruct((_B, _NPAD), jnp.int8),
                   jax.ShapeDtypeStruct((_B, 128), jnp.int32)],
    )(fut, ct)


def _normalize(pts):
    xy = pts[..., :2]
    mean = jnp.mean(xy, axis=-2, keepdims=True)
    d = jnp.sqrt(jnp.sum((xy - mean) ** 2, axis=-1))
    scale = jnp.sqrt(2.0) / (jnp.mean(d, axis=-1) + 1e-8)
    nb = pts.shape[0]
    T = jnp.zeros((nb, 3, 3), dtype=pts.dtype)
    T = T.at[:, 0, 0].set(scale).at[:, 1, 1].set(scale).at[:, 2, 2].set(1.0)
    T = (T.at[:, 0, 2].set(-scale * mean[:, 0, 0])
          .at[:, 1, 2].set(-scale * mean[:, 0, 1]))
    npts = pts @ jnp.swapaxes(T, -1, -2)
    return npts, T


def _fit(p1, p2):
    n1, T1 = _normalize(p1)
    n2, T2 = _normalize(p2)
    x1, y1 = n1[..., 0], n1[..., 1]
    x2, y2 = n2[..., 0], n2[..., 1]
    ones = jnp.ones_like(x1)
    A = jnp.stack([x2 * x1, x2 * y1, x2, y2 * x1, y2 * y1, y2, x1, y1, ones],
                  axis=-1)
    M = jnp.swapaxes(A, -1, -2) @ A
    w, v = jnp.linalg.eigh(M)
    f = v[..., 0]
    F = f.reshape(-1, 3, 3)
    U, s, Vh = jnp.linalg.svd(F, full_matrices=False)
    s2 = s.at[:, 2].set(0.0)
    F = U @ (s2[..., None] * Vh)
    F = jnp.swapaxes(T2, -1, -2) @ F @ T1
    F = F / (F[:, 2:3, 2:3] + 1e-12)
    return F


def kernel(coordinates_1, coordinates_2, iterations, num_of_select):
    c1 = coordinates_1
    c2 = coordinates_2
    N = c1.shape[0]
    key = jax.random.key(42)
    samples = jax.random.randint(key, (1000, 8), 0, N)
    sp = jnp.zeros((_B, 8), jnp.int32).at[:1000].set(samples)
    idx_flat = sp.reshape(_B * 8)
    table = jnp.concatenate(
        [c1[:, :2], c2[:, :2], jnp.zeros((N, _D - 4), jnp.float32)], axis=1)

    gathered = _sc_gather(table, idx_flat)
    g = gathered.reshape(_B, 8, _D)[:1000, :, :4]
    ones8 = jnp.ones((1000, 8), jnp.float32)
    p1 = jnp.stack([g[:, :, 0], g[:, :, 1], ones8], axis=-1)
    p2 = jnp.stack([g[:, :, 2], g[:, :, 3], ones8], axis=-1)

    F = _fit(p1, p2)

    sam = sp.T.reshape(8, 8, 128)
    flag = _uniq_call(sam).reshape(_B)

    fut = jnp.zeros((_B, 128), jnp.float32)
    fut = fut.at[:1000, :9].set(F.reshape(1000, 9)).at[:, 9].set(flag)
    ct = jnp.zeros((8, _NPAD), jnp.float32)
    ct = (ct.at[0, :N].set(c1[:, 0]).at[1, :N].set(c1[:, 1])
            .at[2, :N].set(c2[:, 0]).at[3, :N].set(c2[:, 1]))

    msk, cnt = _score_call(fut, ct)
    counts = cnt[:1000, 0]
    best = jnp.argmax(counts)
    mbest = F[best]
    mask = msk[best, :N] != 0
    return mbest, mask

# --- scband reference (transcript-rebuilt; emitter-appended) ---
"""Pipeline reference for scband-ransac-24464133718447 (READ-ONLY COPY).

The authoritative reference and input builder live on the scoring server;
editing this copy changes nothing except your own understanding.
"""

import jax, jax.numpy as jnp
import numpy as np


def _normalize_pts(pts):
    # pts: [B, n, 3] homogeneous
    xy = pts[..., :2]
    mean = jnp.mean(xy, axis=-2, keepdims=True)  # [B,1,2]
    d = jnp.sqrt(jnp.sum((xy - mean) ** 2, axis=-1))  # [B,n]
    scale = jnp.sqrt(2.0) / (jnp.mean(d, axis=-1) + 1e-8)  # [B]
    B = pts.shape[0]
    T = jnp.zeros((B, 3, 3), dtype=pts.dtype)
    T = T.at[:, 0, 0].set(scale).at[:, 1, 1].set(scale).at[:, 2, 2].set(1.0)
    T = T.at[:, 0, 2].set(-scale * mean[:, 0, 0]).at[:, 1, 2].set(-scale * mean[:, 0, 1])
    npts = pts @ jnp.swapaxes(T, -1, -2)
    return npts, T


def _eight_pts_alg(p1, p2):
    # p1, p2: [B, n, 3] -> F: [B, 3, 3]
    n1, T1 = _normalize_pts(p1)
    n2, T2 = _normalize_pts(p2)
    x1, y1 = n1[..., 0], n1[..., 1]
    x2, y2 = n2[..., 0], n2[..., 1]
    ones = jnp.ones_like(x1)
    A = jnp.stack([x2 * x1, x2 * y1, x2, y2 * x1, y2 * y1, y2, x1, y1, ones], axis=-1)  # [B,n,9]
    M = jnp.swapaxes(A, -1, -2) @ A  # [B,9,9]
    w, v = jnp.linalg.eigh(M)
    f = v[..., 0]  # eigvec of smallest eigenvalue == null-space direction
    F = f.reshape(-1, 3, 3)
    U, s, Vh = jnp.linalg.svd(F, full_matrices=False)
    s2 = s.at[:, 2].set(0.0)  # enforce rank 2
    F = U @ (s2[..., None] * Vh)
    F = jnp.swapaxes(T2, -1, -2) @ F @ T1  # denormalize
    F = F / (F[:, 2:3, 2:3] + 1e-12)
    return F


def _sampson_error(p1, p2, F):
    # p1, p2: [N,3]; F: [B,3,3] -> [B,N]
    Fx1 = jnp.einsum('bij,nj->bni', F, p1)
    Ftx2 = jnp.einsum('bji,nj->bni', F, p2)
    num = jnp.einsum('ni,bni->bn', p2, Fx1) ** 2
    den = Fx1[..., 0] ** 2 + Fx1[..., 1] ** 2 + Ftx2[..., 0] ** 2 + Ftx2[..., 1] ** 2 + 1e-12
    return num / den


def setup_inputs(seed: int = 0) -> dict:
    key = jax.random.key(seed)
    k1, k2 = jax.random.split(key)
    N = 5000
    xy1 = jax.random.uniform(k1, (N, 2), dtype=jnp.float32) * 512.0
    xy2 = jax.random.uniform(k2, (N, 2), dtype=jnp.float32) * 512.0
    coordinates_1 = jnp.concatenate([xy1, jnp.ones((N, 1), dtype=jnp.float32)], axis=1)
    coordinates_2 = jnp.concatenate([xy2, jnp.ones((N, 1), dtype=jnp.float32)], axis=1)
    return {
        'coordinates_1': coordinates_1,
        'coordinates_2': coordinates_2,
        'iterations': 1000,
        'num_of_select': 8,
    }


def reference(coordinates_1, coordinates_2, iterations, num_of_select):
    threshold = 0.5
    N = coordinates_1.shape[0]
    key = jax.random.key(42)
    samples = jax.random.randint(key, (1000, 8), 0, N)  # [iters,8]
    samples = samples + (iterations - iterations) + (num_of_select - num_of_select)
    # uniqueness check (torch: torch.unique per row)
    ssort = jnp.sort(samples, axis=1)
    uniq = jnp.all(ssort[:, 1:] != ssort[:, :-1], axis=1)
    # fit_model for every hypothesis in parallel
    p1 = coordinates_1[samples]  # [iters,8,3] gather
    p2 = coordinates_2[samples]
    F = _eight_pts_alg(p1, p2)  # [iters,3,3]
    # check_model for every hypothesis against all points
    err = _sampson_error(coordinates_1, coordinates_2, F)  # [iters,N]
    inlier_mask = err <= threshold
    counts = jnp.sum(inlier_mask, axis=1)
    counts = jnp.where(uniq, counts, -1)
    best = jnp.argmax(counts)
    Mbest = F[best]
    mask_inliers = inlier_mask[best]
    return Mbest, mask_inliers

if __name__ == "__main__":
    import jax
    _d = setup_inputs()
    print(jax.jit(kernel)(*tuple(_d.values())))

</pallas_src>

<mosaic_0001>
#map = affine_map<(d0, d1) -> (0, 0)>
#map1 = affine_map<(d0, d1) -> (0)>
module attributes {stable_mosaic.version = 14 : i64} {
  func.func @k(%arg0: i32, %arg1: i32, %arg2: memref<5000x128xf32, #tpu.memory_space<hbm>>, %arg3: memref<8192xi32, #tpu.memory_space<hbm>>, %arg4: memref<8192x128xf32, #tpu.memory_space<hbm>>, %arg5: memref<256xi32, #tpu.memory_space<vmem>>, %arg6: memref<256x128xf32, #tpu.memory_space<vmem>>, %arg7: memref<!tpu.dma_semaphore, #tpu.memory_space<semaphore_mem>>) attributes {dimension_semantics = [#tpu.dimension_semantics<core_parallel>, #tpu.dimension_semantics<subcore_parallel>], iteration_bounds = array<i64: 2, 16>, scalar_prefetch = 0 : i64, scratch_operands = 3 : i64, tpu.core_type = #tpu.core_type<sc_vector_subcore>, window_params = [{transform_indices = #map}, {transform_indices = #map1}, {transform_indices = #map}]} {
    %mul3A = arith.constant 2 : i32
    %mul3A_0 = arith.muli %arg1, %mul3A : i32
    %add3A = arith.addi %mul3A_0, %arg0 : i32
    %mul3A_1 = arith.constant 256 : i32
    %mul3A_2 = arith.muli %add3A, %mul3A_1 : i32
    "tpu.region"() ({
      %run_scoped3A = tpu.sem_alloc : memref<!tpu.dma_semaphore, #tpu.memory_space<semaphore_mem>>
      %dma_start3A_7 = tpu.memref_slice %arg3[%mul3A_2] : memref<8192xi32, #tpu.memory_space<hbm>> -> memref<256xi32, #tpu.memory_space<hbm>>
      %dma_start3A_8 = tpu.memref_slice %arg3[%mul3A_2] : memref<8192xi32, #tpu.memory_space<hbm>> -> memref<256xi32, #tpu.memory_space<hbm>>
      tpu.enqueue_dma source(%dma_start3A_8 : memref<256xi32, #tpu.memory_space<hbm>>) target(%arg5 : memref<256xi32, #tpu.memory_space<vmem>>) target_semaphore(%run_scoped3A : memref<!tpu.dma_semaphore, #tpu.memory_space<semaphore_mem>>)
      %dma_wait3A_9 = tpu.memref_slice %arg3[%mul3A_2] : memref<8192xi32, #tpu.memory_space<hbm>> -> memref<256xi32, #tpu.memory_space<hbm>>
      %dma_wait3A_10 = tpu.memref_slice %arg3[%mul3A_2] : memref<8192xi32, #tpu.memory_space<hbm>> -> memref<256xi32, #tpu.memory_space<hbm>>
      tpu.wait_dma2 semaphore(%run_scoped3A : memref<!tpu.dma_semaphore, #tpu.memory_space<semaphore_mem>>) src(%dma_wait3A_10 : memref<256xi32, #tpu.memory_space<hbm>>) dst(%arg5 : memref<256xi32, #tpu.memory_space<vmem>>)
      tpu.yield
    }) : () -> ()
    %dma_start3A = arith.constant 0 : i32
    %dma_start3A_3 = arith.constant 0 : i32
    %dma_start3A_4 = tpu.memref_slice %arg2[%dma_start3A, %dma_start3A_3] : memref<5000x128xf32, #tpu.memory_space<hbm>> -> memref<5000x128xf32, #tpu.memory_space<hbm>>
    tpu.enqueue_indirect_dma source(%dma_start3A_4 : memref<5000x128xf32, #tpu.memory_space<hbm>>) target(%arg6 : memref<256x128xf32, #tpu.memory_space<vmem>>) offsets(%arg5 : memref<256xi32, #tpu.memory_space<vmem>>) semaphore(%arg7 : memref<!tpu.dma_semaphore, #tpu.memory_space<semaphore_mem>>)
    %dma_wait3A = arith.constant 0 : i32
    %dma_wait3A_5 = arith.constant 0 : i32
    %dma_wait3A_6 = tpu.memref_slice %arg2[%dma_wait3A, %dma_wait3A_5] : memref<5000x128xf32, #tpu.memory_space<hbm>> -> memref<5000x128xf32, #tpu.memory_space<hbm>>
    tpu.wait_indirect_dma semaphore(%arg7 : memref<!tpu.dma_semaphore, #tpu.memory_space<semaphore_mem>>) src(%dma_wait3A_6 : memref<5000x128xf32, #tpu.memory_space<hbm>>) dst(%arg6 : memref<256x128xf32, #tpu.memory_space<vmem>>)
    "tpu.region"() ({
      %run_scoped3A = tpu.sem_alloc : memref<!tpu.dma_semaphore, #tpu.memory_space<semaphore_mem>>
      %dma_start3A_7 = arith.constant 0 : i32
      %dma_start3A_8 = tpu.memref_slice %arg4[%mul3A_2, %dma_start3A_7] : memref<8192x128xf32, #tpu.memory_space<hbm>> -> memref<256x128xf32, #tpu.memory_space<hbm>>
      %dma_start3A_9 = arith.constant 0 : i32
      %dma_start3A_10 = tpu.memref_slice %arg4[%mul3A_2, %dma_start3A_9] : memref<8192x128xf32, #tpu.memory_space<hbm>> -> memref<256x128xf32, #tpu.memory_space<hbm>>
      tpu.enqueue_dma source(%arg6 : memref<256x128xf32, #tpu.memory_space<vmem>>) target(%dma_start3A_10 : memref<256x128xf32, #tpu.memory_space<hbm>>) target_semaphore(%run_scoped3A : memref<!tpu.dma_semaphore, #tpu.memory_space<semaphore_mem>>)
      %dma_wait3A_11 = arith.constant 0 : i32
      %dma_wait3A_12 = tpu.memref_slice %arg4[%mul3A_2, %dma_wait3A_11] : memref<8192x128xf32, #tpu.memory_space<hbm>> -> memref<256x128xf32, #tpu.memory_space<hbm>>
      %dma_wait3A_13 = arith.constant 0 : i32
      %dma_wait3A_14 = tpu.memref_slice %arg4[%mul3A_2, %dma_wait3A_13] : memref<8192x128xf32, #tpu.memory_space<hbm>> -> memref<256x128xf32, #tpu.memory_space<hbm>>
      tpu.wait_dma2 semaphore(%run_scoped3A : memref<!tpu.dma_semaphore, #tpu.memory_space<semaphore_mem>>) src(%arg6 : memref<256x128xf32, #tpu.memory_space<vmem>>) dst(%dma_wait3A_14 : memref<256x128xf32, #tpu.memory_space<hbm>>)
      tpu.yield
    }) : () -> ()
    return
  }
}

module attributes {stable_mosaic.version = 14 : i64} {
  func.func @_uniq_body(%arg0: memref<8x8x128xi32, #tpu.memory_space<vmem>>, %arg1: memref<8x128xf32, #tpu.memory_space<vmem>>) attributes {dimension_semantics = [], scalar_prefetch = 0 : i64, scratch_operands = 0 : i64, tpu.core_type = #tpu.core_type<tc>} {
    %get3A = arith.constant 0 : index
    %get3A_0 = arith.constant 0 : index
    %get3A_1 = arith.constant 0 : index
    %get3A_2 = vector.load %arg0[%get3A, %get3A_0, %get3A_1] : memref<8x8x128xi32, #tpu.memory_space<vmem>>, vector<1x8x128xi32>
    %get3A_3 = vector.shape_cast %get3A_2 : vector<1x8x128xi32> to vector<8x128xi32>
    %get3A_4 = arith.constant 1 : index
    %get3A_5 = arith.constant 0 : index
    %get3A_6 = arith.constant 0 : index
    %get3A_7 = vector.load %arg0[%get3A_4, %get3A_5, %get3A_6] : memref<8x8x128xi32, #tpu.memory_space<vmem>>, vector<1x8x128xi32>
    %get3A_8 = vector.shape_cast %get3A_7 : vector<1x8x128xi32> to vector<8x128xi32>
    %get3A_9 = arith.constant 2 : index
    %get3A_10 = arith.constant 0 : index
    %get3A_11 = arith.constant 0 : index
    %get3A_12 = vector.load %arg0[%get3A_9, %get3A_10, %get3A_11] : memref<8x8x128xi32, #tpu.memory_space<vmem>>, vector<1x8x128xi32>
    %get3A_13 = vector.shape_cast %get3A_12 : vector<1x8x128xi32> to vector<8x128xi32>
    %get3A_14 = arith.constant 3 : index
    %get3A_15 = arith.constant 0 : index
    %get3A_16 = arith.constant 0 : index
    %get3A_17 = vector.load %arg0[%get3A_14, %get3A_15, %get3A_16] : memref<8x8x128xi32, #tpu.memory_space<vmem>>, vector<1x8x128xi32>
    %get3A_18 = vector.shape_cast %get3A_17 : vector<1x8x128xi32> to vector<8x128xi32>
    %get3A_19 = arith.constant 4 : index
    %get3A_20 = arith.constant 0 : index
    %get3A_21 = arith.constant 0 : index
    %get3A_22 = vector.load %arg0[%get3A_19, %get3A_20, %get3A_21] : memref<8x8x128xi32, #tpu.memory_space<vmem>>, vector<1x8x128xi32>
    %get3A_23 = vector.shape_cast %get3A_22 : vector<1x8x128xi32> to vector<8x128xi32>
    %get3A_24 = arith.constant 5 : index
    %get3A_25 = arith.constant 0 : index
    %get3A_26 = arith.constant 0 : index
    %get3A_27 = vector.load %arg0[%get3A_24, %get3A_25, %get3A_26] : memref<8x8x128xi32, #tpu.memory_space<vmem>>, vector<1x8x128xi32>
    %get3A_28 = vector.shape_cast %get3A_27 : vector<1x8x128xi32> to vector<8x128xi32>
    %get3A_29 = arith.constant 6 : index
    %get3A_30 = arith.constant 0 : index
    %get3A_31 = arith.constant 0 : index
    %get3A_32 = vector.load %arg0[%get3A_29, %get3A_30, %get3A_31] : memref<8x8x128xi32, #tpu.memory_space<vmem>>, vector<1x8x128xi32>
    %get3A_33 = vector.shape_cast %get3A_32 : vector<1x8x128xi32> to vector<8x128xi32>
    %get3A_34 = arith.constant 7 : index
    %get3A_35 = arith.constant 0 : index
    %get3A_36 = arith.constant 0 : index
    %get3A_37 = vector.load %arg0[%get3A_34, %get3A_35, %get3A_36] : memref<8x8x128xi32, #tpu.memory_space<vmem>>, vector<1x8x128xi32>
    %get3A_38 = vector.shape_cast %get3A_37 : vector<1x8x128xi32> to vector<8x128xi32>
    %min3A = arith.minsi %get3A_3, %get3A_8 : vector<8x128xi32>
    %max3A = arith.maxsi %get3A_3, %get3A_8 : vector<8x128xi32>
    %min3A_39 = arith.minsi %get3A_13, %get3A_18 : vector<8x128xi32>
    %max3A_40 = arith.maxsi %get3A_13, %get3A_18 : vector<8x128xi32>
    %min3A_41 = arith.minsi %get3A_23, %get3A_28 : vector<8x128xi32>
    %max3A_42 = arith.maxsi %get3A_23, %get3A_28 : vector<8x128xi32>
    %min3A_43 = arith.minsi %get3A_33, %get3A_38 : vector<8x128xi32>
    %max3A_44 = arith.maxsi %get3A_33, %get3A_38 : vector<8x128xi32>
    %min3A_45 = arith.minsi %min3A, %min3A_39 : vector<8x128xi32>
    %max3A_46 = arith.maxsi %min3A, %min3A_39 : vector<8x128xi32>
    %min3A_47 = arith.minsi %max3A, %max3A_40 : vector<8x128xi32>
    %max3A_48 = arith.maxsi %max3A, %max3A_40 : vector<8x128xi32>
    %min3A_49 = arith.minsi %min3A_41, %min3A_43 : vector<8x128xi32>
    %max3A_50 = arith.maxsi %min3A_41, %min3A_43 : vector<8x128xi32>
    %min3A_51 = arith.minsi %max3A_42, %max3A_44 : vector<8x128xi32>
    %max3A_52 = arith.maxsi %max3A_42, %max3A_44 : vector<8x128xi32>
    %min3A_53 = arith.minsi %min3A_47, %max3A_46 : vector<8x128xi32>
    %max3A_54 = arith.maxsi %min3A_47, %max3A_46 : vector<8x128xi32>
    %min3A_55 = arith.minsi %min3A_51, %max3A_50 : vector<8x128xi32>
    %max3A_56 = arith.maxsi %min3A_51, %max3A_50 : vector<8x128xi32>
    %min3A_57 = arith.minsi %min3A_45, %min3A_49 : vector<8x128xi32>
    %max3A_58 = arith.maxsi %min3A_45, %min3A_49 : vector<8x128xi32>
    %min3A_59 = arith.minsi %min3A_53, %min3A_55 : vector<8x128xi32>
    %max3A_60 = arith.maxsi %min3A_53, %min3A_55 : vector<8x128xi32>
    %min3A_61 = arith.minsi %max3A_54, %max3A_56 : vector<8x128xi32>
    %max3A_62 = arith.maxsi %max3A_54, %max3A_56 : vector<8x128xi32>
    %min3A_63 = arith.minsi %max3A_48, %max3A_52 : vector<8x128xi32>
    %max3A_64 = arith.maxsi %max3A_48, %max3A_52 : vector<8x128xi32>
    %min3A_65 = arith.minsi %min3A_61, %max3A_58 : vector<8x128xi32>
    %max3A_66 = arith.maxsi %min3A_61, %max3A_58 : vector<8x128xi32>
    %min3A_67 = arith.minsi %min3A_63, %max3A_60 : vector<8x128xi32>
    %max3A_68 = arith.maxsi %min3A_63, %max3A_60 : vector<8x128xi32>
    %min3A_69 = arith.minsi %min3A_59, %min3A_65 : vector<8x128xi32>
    %max3A_70 = arith.maxsi %min3A_59, %min3A_65 : vector<8x128xi32>
    %min3A_71 = arith.minsi %min3A_67, %max3A_66 : vector<8x128xi32>
    %max3A_72 = arith.maxsi %min3A_67, %max3A_66 : vector<8x128xi32>
    %min3A_73 = arith.minsi %max3A_68, %max3A_62 : vector<8x128xi32>
    %max3A_74 = arith.maxsi %max3A_68, %max3A_62 : vector<8x128xi32>
    %ne3A = arith.cmpi ne, %min3A_69, %min3A_57 : vector<8x128xi32>
    %ne3A_75 = arith.cmpi ne, %max3A_70, %min3A_69 : vector<8x128xi32>
    %and3A = arith.andi %ne3A, %ne3A_75 : vector<8x128xi1>
    %ne3A_76 = arith.cmpi ne, %min3A_71, %max3A_70 : vector<8x128xi32>
    %and3A_77 = arith.andi %and3A, %ne3A_76 : vector<8x128xi1>
    %ne3A_78 = arith.cmpi ne, %max3A_72, %min3A_71 : vector<8x128xi32>
    %and3A_79 = arith.andi %and3A_77, %ne3A_78 : vector<8x128xi1>
    %ne3A_80 = arith.cmpi ne, %min3A_73, %max3A_72 : vector<8x128xi32>
    %and3A_81 = arith.andi %and3A_79, %ne3A_80 : vector<8x128xi1>
    %ne3A_82 = arith.cmpi ne, %max3A_74, %min3A_73 : vector<8x128xi32>
    %and3A_83 = arith.andi %and3A_81, %ne3A_82 : vector<8x128xi1>
    %ne3A_84 = arith.cmpi ne, %max3A_64, %max3A_74 : vector<8x128xi32>
    %and3A_85 = arith.andi %and3A_83, %ne3A_84 : vector<8x128xi1>
    %iota3A = tpu.iota {dimensions = array<i32: 0>} : vector<8x128xi32>
    %mul3A = arith.constant 128 : i32
    %mul3A_86 = vector.broadcast %mul3A : i32 to vector<8x128xi32>
    %mul3A_87 = arith.muli %iota3A, %mul3A_86 : vector<8x128xi32>
    %iota3A_88 = tpu.iota {dimensions = array<i32: 1>} : vector<8x128xi32>
    %add3A = arith.addi %mul3A_87, %iota3A_88 : vector<8x128xi32>
    %lt3A = arith.constant 1000 : i32
    %lt3A_89 = vector.broadcast %lt3A : i32 to vector<8x128xi32>
    %lt3A_90 = arith.cmpi slt, %add3A, %lt3A_89 : vector<8x128xi32>
    %and3A_91 = arith.andi %and3A_85, %lt3A_90 : vector<8x128xi1>
    %jit3A = arith.constant 1.000000e+00 : f32
    %jit3A_92 = arith.constant 0.000000e+00 : f32
    %broadcast_in_dim3A = vector.broadcast %jit3A : f32 to vector<8x128xf32>
    %broadcast_in_dim3A_93 = vector.broadcast %jit3A_92 : f32 to vector<8x128xf32>
    %select_n3A = arith.select %and3A_91, %broadcast_in_dim3A, %broadcast_in_dim3A_93 : vector<8x128xi1>, vector<8x128xf32>
    %swap3A = arith.constant 0 : index
    %swap3A_94 = arith.constant 0 : index
    %swap3A_95 = vector.load %arg1[%swap3A, %swap3A_94] : memref<8x128xf32, #tpu.memory_space<vmem>>, vector<8x128xf32>
    tpu.vector_store %arg1[%swap3A, %swap3A_94], %select_n3A {strides = array<i32>} : memref<8x128xf32, #tpu.memory_space<vmem>>, vector<8x128xf32>,
    return
  }
}

module attributes {stable_mosaic.version = 14 : i64} {
  func.func @_score_body(%arg0: i32, %arg1: memref<128x128xf32, #tpu.memory_space<vmem>>, %arg2: memref<8x5120xf32, #tpu.memory_space<vmem>>, %arg3: memref<128x5120xi8, #tpu.memory_space<vmem>>, %arg4: memref<128x128xi32, #tpu.memory_space<vmem>>) attributes {dimension_semantics = [#tpu.dimension_semantics<arbitrary>], iteration_bounds = array<i64: 8>, scalar_prefetch = 0 : i64, scratch_operands = 0 : i64, tpu.core_type = #tpu.core_type<tc>, window_params = [{transform_indices = @transform_0, window_bounds = array<i64: 128, 128>}, {pipeline_mode = #tpu.pipeline_mode<synchronous>, transform_indices = @transform_1, window_bounds = array<i64: 8, 5120>}, {transform_indices = @transform_2, window_bounds = array<i64: 128, 5120>}, {transform_indices = @transform_3, window_bounds = array<i64: 128, 128>}]} {
    %get3A = arith.constant 0 : index
    %get3A_0 = arith.constant 0 : index
    %get3A_1 = vector.load %arg1[%get3A, %get3A_0] : memref<128x128xf32, #tpu.memory_space<vmem>>, vector<128x1xf32>
    %get3A_2 = arith.constant 0 : index
    %get3A_3 = arith.constant 1 : index
    %get3A_4 = vector.load %arg1[%get3A_2, %get3A_3] : memref<128x128xf32, #tpu.memory_space<vmem>>, vector<128x1xf32>
    %get3A_5 = arith.constant 0 : index
    %get3A_6 = arith.constant 2 : index
    %get3A_7 = vector.load %arg1[%get3A_5, %get3A_6] : memref<128x128xf32, #tpu.memory_space<vmem>>, vector<128x1xf32>
    %get3A_8 = arith.constant 0 : index
    %get3A_9 = arith.constant 3 : index
    %get3A_10 = vector.load %arg1[%get3A_8, %get3A_9] : memref<128x128xf32, #tpu.memory_space<vmem>>, vector<128x1xf32>
    %get3A_11 = arith.constant 0 : index
    %get3A_12 = arith.constant 4 : index
    %get3A_13 = vector.load %arg1[%get3A_11, %get3A_12] : memref<128x128xf32, #tpu.memory_space<vmem>>, vector<128x1xf32>
    %get3A_14 = arith.constant 0 : index
    %get3A_15 = arith.constant 5 : index
    %get3A_16 = vector.load %arg1[%get3A_14, %get3A_15] : memref<128x128xf32, #tpu.memory_space<vmem>>, vector<128x1xf32>
    %get3A_17 = arith.constant 0 : index
    %get3A_18 = arith.constant 6 : index
    %get3A_19 = vector.load %arg1[%get3A_17, %get3A_18] : memref<128x128xf32, #tpu.memory_space<vmem>>, vector<128x1xf32>
    %get3A_20 = arith.constant 0 : index
    %get3A_21 = arith.constant 7 : index
    %get3A_22 = vector.load %arg1[%get3A_20, %get3A_21] : memref<128x128xf32, #tpu.memory_space<vmem>>, vector<128x1xf32>
    %get3A_23 = arith.constant 0 : index
    %get3A_24 = arith.constant 8 : index
    %get3A_25 = vector.load %arg1[%get3A_23, %get3A_24] : memref<128x128xf32, #tpu.memory_space<vmem>>, vector<128x1xf32>
    %convert_element_type3A = arith.truncf %get3A_1 : vector<128x1xf32> to vector<128x1xbf16>
    %convert_element_type3A_26 = arith.extf %convert_element_type3A : vector<128x1xbf16> to vector<128x1xf32>
    %convert_element_type3A_27 = arith.truncf %get3A_4 : vector<128x1xf32> to vector<128x1xbf16>
    %convert_element_type3A_28 = arith.extf %convert_element_type3A_27 : vector<128x1xbf16> to vector<128x1xf32>
    %convert_element_type3A_29 = arith.truncf %get3A_7 : vector<128x1xf32> to vector<128x1xbf16>
    %convert_element_type3A_30 = arith.extf %convert_element_type3A_29 : vector<128x1xbf16> to vector<128x1xf32>
    %convert_element_type3A_31 = arith.truncf %get3A_10 : vector<128x1xf32> to vector<128x1xbf16>
    %convert_element_type3A_32 = arith.extf %convert_element_type3A_31 : vector<128x1xbf16> to vector<128x1xf32>
    %convert_element_type3A_33 = arith.truncf %get3A_13 : vector<128x1xf32> to vector<128x1xbf16>
    %convert_element_type3A_34 = arith.extf %convert_element_type3A_33 : vector<128x1xbf16> to vector<128x1xf32>
    %convert_element_type3A_35 = arith.truncf %get3A_16 : vector<128x1xf32> to vector<128x1xbf16>
    %convert_element_type3A_36 = arith.extf %convert_element_type3A_35 : vector<128x1xbf16> to vector<128x1xf32>
    %convert_element_type3A_37 = arith.truncf %get3A_19 : vector<128x1xf32> to vector<128x1xbf16>
    %convert_element_type3A_38 = arith.extf %convert_element_type3A_37 : vector<128x1xbf16> to vector<128x1xf32>
    %convert_element_type3A_39 = arith.truncf %get3A_22 : vector<128x1xf32> to vector<128x1xbf16>
    %convert_element_type3A_40 = arith.extf %convert_element_type3A_39 : vector<128x1xbf16> to vector<128x1xf32>
    %convert_element_type3A_41 = arith.truncf %get3A_25 : vector<128x1xf32> to vector<128x1xbf16>
    %convert_element_type3A_42 = arith.extf %convert_element_type3A_41 : vector<128x1xbf16> to vector<128x1xf32>
    %get3A_43 = arith.constant 0 : index
    %get3A_44 = arith.constant 9 : index
    %get3A_45 = vector.load %arg1[%get3A_43, %get3A_44] : memref<128x128xf32, #tpu.memory_space<vmem>>, vector<128x1xf32>
    %get3A_46 = arith.constant 0 : index
    %get3A_47 = arith.constant 0 : index
    %get3A_48 = vector.load %arg2[%get3A_46, %get3A_47] : memref<8x5120xf32, #tpu.memory_space<vmem>>, vector<1x5120xf32>
    %get3A_49 = arith.constant 1 : index
    %get3A_50 = arith.constant 0 : index
    %get3A_51 = vector.load %arg2[%get3A_49, %get3A_50] : memref<8x5120xf32, #tpu.memory_space<vmem>>, vector<1x5120xf32>
    %get3A_52 = arith.constant 2 : index
    %get3A_53 = arith.constant 0 : index
    %get3A_54 = vector.load %arg2[%get3A_52, %get3A_53] : memref<8x5120xf32, #tpu.memory_space<vmem>>, vector<1x5120xf32>
    %get3A_55 = arith.constant 3 : index
    %get3A_56 = arith.constant 0 : index
    %get3A_57 = vector.load %arg2[%get3A_55, %get3A_56] : memref<8x5120xf32, #tpu.memory_space<vmem>>, vector<1x5120xf32>
    %convert_element_type3A_58 = arith.truncf %get3A_48 : vector<1x5120xf32> to vector<1x5120xbf16>
    %convert_element_type3A_59 = arith.extf %convert_element_type3A_58 : vector<1x5120xbf16> to vector<1x5120xf32>
    %convert_element_type3A_60 = arith.truncf %get3A_51 : vector<1x5120xf32> to vector<1x5120xbf16>
    %convert_element_type3A_61 = arith.extf %convert_element_type3A_60 : vector<1x5120xbf16> to vector<1x5120xf32>
    %convert_element_type3A_62 = arith.truncf %get3A_54 : vector<1x5120xf32> to vector<1x5120xbf16>
    %convert_element_type3A_63 = arith.extf %convert_element_type3A_62 : vector<1x5120xbf16> to vector<1x5120xf32>
    %convert_element_type3A_64 = arith.truncf %get3A_57 : vector<1x5120xf32> to vector<1x5120xbf16>
    %convert_element_type3A_65 = arith.extf %convert_element_type3A_64 : vector<1x5120xbf16> to vector<1x5120xf32>
    %mul3A = vector.broadcast %convert_element_type3A_26 : vector<128x1xf32> to vector<128x5120xf32>
    %mul3A_66 = vector.broadcast %convert_element_type3A_59 : vector<1x5120xf32> to vector<128x5120xf32>
    %mul3A_67 = arith.mulf %mul3A, %mul3A_66 : vector<128x5120xf32>
    %mul3A_68 = vector.broadcast %convert_element_type3A_28 : vector<128x1xf32> to vector<128x5120xf32>
    %mul3A_69 = vector.broadcast %convert_element_type3A_61 : vector<1x5120xf32> to vector<128x5120xf32>
    %mul3A_70 = arith.mulf %mul3A_68, %mul3A_69 : vector<128x5120xf32>
    %add3A = vector.broadcast %convert_element_type3A_30 : vector<128x1xf32> to vector<128x5120xf32>
    %add3A_71 = arith.addf %mul3A_70, %add3A : vector<128x5120xf32>
    %add3A_72 = arith.addf %mul3A_67, %add3A_71 : vector<128x5120xf32>
    %mul3A_73 = vector.broadcast %convert_element_type3A_32 : vector<128x1xf32> to vector<128x5120xf32>
    %mul3A_74 = vector.broadcast %convert_element_type3A_59 : vector<1x5120xf32> to vector<128x5120xf32>
    %mul3A_75 = arith.mulf %mul3A_73, %mul3A_74 : vector<128x5120xf32>
    %mul3A_76 = vector.broadcast %convert_element_type3A_34 : vector<128x1xf32> to vector<128x5120xf32>
    %mul3A_77 = vector.broadcast %convert_element_type3A_61 : vector<1x5120xf32> to vector<128x5120xf32>
    %mul3A_78 = arith.mulf %mul3A_76, %mul3A_77 : vector<128x5120xf32>
    %add3A_79 = vector.broadcast %convert_element_type3A_36 : vector<128x1xf32> to vector<128x5120xf32>
    %add3A_80 = arith.addf %mul3A_78, %add3A_79 : vector<128x5120xf32>
    %add3A_81 = arith.addf %mul3A_75, %add3A_80 : vector<128x5120xf32>
    %mul3A_82 = vector.broadcast %convert_element_type3A_38 : vector<128x1xf32> to vector<128x5120xf32>
    %mul3A_83 = vector.broadcast %convert_element_type3A_59 : vector<1x5120xf32> to vector<128x5120xf32>
    %mul3A_84 = arith.mulf %mul3A_82, %mul3A_83 : vector<128x5120xf32>
    %mul3A_85 = vector.broadcast %convert_element_type3A_40 : vector<128x1xf32> to vector<128x5120xf32>
    %mul3A_86 = vector.broadcast %convert_element_type3A_61 : vector<1x5120xf32> to vector<128x5120xf32>
    %mul3A_87 = arith.mulf %mul3A_85, %mul3A_86 : vector<128x5120xf32>
    %add3A_88 = vector.broadcast %convert_element_type3A_42 : vector<128x1xf32> to vector<128x5120xf32>
    %add3A_89 = arith.addf %mul3A_87, %add3A_88 : vector<128x5120xf32>
    %add3A_90 = arith.addf %mul3A_84, %add3A_89 : vector<128x5120xf32>
    %mul3A_91 = vector.broadcast %convert_element_type3A_26 : vector<128x1xf32> to vector<128x5120xf32>
    %mul3A_92 = vector.broadcast %convert_element_type3A_63 : vector<1x5120xf32> to vector<128x5120xf32>
    %mul3A_93 = arith.mulf %mul3A_91, %mul3A_92 : vector<128x5120xf32>
    %mul3A_94 = vector.broadcast %convert_element_type3A_32 : vector<128x1xf32> to vector<128x5120xf32>
    %mul3A_95 = vector.broadcast %convert_element_type3A_65 : vector<1x5120xf32> to vector<128x5120xf32>
    %mul3A_96 = arith.mulf %mul3A_94, %mul3A_95 : vector<128x5120xf32>
    %add3A_97 = vector.broadcast %convert_element_type3A_38 : vector<128x1xf32> to vector<128x5120xf32>
    %add3A_98 = arith.addf %mul3A_96, %add3A_97 : vector<128x5120xf32>
    %add3A_99 = arith.addf %mul3A_93, %add3A_98 : vector<128x5120xf32>
    %mul3A_100 = vector.broadcast %convert_element_type3A_28 : vector<128x1xf32> to vector<128x5120xf32>
    %mul3A_101 = vector.broadcast %convert_element_type3A_63 : vector<1x5120xf32> to vector<128x5120xf32>
    %mul3A_102 = arith.mulf %mul3A_100, %mul3A_101 : vector<128x5120xf32>
    %mul3A_103 = vector.broadcast %convert_element_type3A_34 : vector<128x1xf32> to vector<128x5120xf32>
    %mul3A_104 = vector.broadcast %convert_element_type3A_65 : vector<1x5120xf32> to vector<128x5120xf32>
    %mul3A_105 = arith.mulf %mul3A_103, %mul3A_104 : vector<128x5120xf32>
    %add3A_106 = vector.broadcast %convert_element_type3A_40 : vector<128x1xf32> to vector<128x5120xf32>
    %add3A_107 = arith.addf %mul3A_105, %add3A_106 : vector<128x5120xf32>
    %add3A_108 = arith.addf %mul3A_102, %add3A_107 : vector<128x5120xf32>
    %mul3A_109 = vector.broadcast %get3A_54 : vector<1x5120xf32> to vector<128x5120xf32>
    %mul3A_110 = arith.mulf %mul3A_109, %add3A_72 : vector<128x5120xf32>
    %mul3A_111 = vector.broadcast %get3A_57 : vector<1x5120xf32> to vector<128x5120xf32>
    %mul3A_112 = arith.mulf %mul3A_111, %add3A_81 : vector<128x5120xf32>
    %add3A_113 = arith.addf %mul3A_110, %mul3A_112 : vector<128x5120xf32>
    %add3A_114 = arith.addf %add3A_113, %add3A_90 : vector<128x5120xf32>
    %mul3A_115 = arith.mulf %add3A_72, %add3A_72 : vector<128x5120xf32>
    %mul3A_116 = arith.mulf %add3A_81, %add3A_81 : vector<128x5120xf32>
    %add3A_117 = arith.addf %mul3A_115, %mul3A_116 : vector<128x5120xf32>
    %mul3A_118 = arith.mulf %add3A_99, %add3A_99 : vector<128x5120xf32>
    %add3A_119 = arith.addf %add3A_117, %mul3A_118 : vector<128x5120xf32>
    %mul3A_120 = arith.mulf %add3A_108, %add3A_108 : vector<128x5120xf32>
    %add3A_121 = arith.addf %add3A_119, %mul3A_120 : vector<128x5120xf32>
    %add3A_122 = arith.constant 9.99999996E-13 : f32
    %add3A_123 = vector.broadcast %add3A_122 : f32 to vector<128x5120xf32>
    %add3A_124 = arith.addf %add3A_121, %add3A_123 : vector<128x5120xf32>
    %mul3A_125 = arith.mulf %add3A_114, %add3A_114 : vector<128x5120xf32>
    %div3A = arith.divf %mul3A_125, %add3A_124 : vector<128x5120xf32>
    %le3A = arith.constant 5.000000e-01 : f32
    %le3A_126 = vector.broadcast %le3A : f32 to vector<128x5120xf32>
    %le3A_127 = arith.cmpf ole, %div3A, %le3A_126 : vector<128x5120xf32>
    %convert_element_type3A_128 = arith.extui %le3A_127 : vector<128x5120xi1> to vector<128x5120xi8>
    %swap3A = arith.constant 0 : index
    %swap3A_129 = arith.constant 0 : index
    %swap3A_130 = vector.load %arg3[%swap3A, %swap3A_129] : memref<128x5120xi8, #tpu.memory_space<vmem>>, vector<128x5120xi8>
    tpu.vector_store %arg3[%swap3A, %swap3A_129], %convert_element_type3A_128 {strides = array<i32>} : memref<128x5120xi8, #tpu.memory_space<vmem>>, vector<128x5120xi8>,
    %iota3A = tpu.iota {dimensions = array<i32: 1>} : vector<128x5120xi32>
    %lt3A = arith.constant 5000 : i32
    %lt3A_131 = vector.broadcast %lt3A : i32 to vector<128x5120xi32>
    %lt3A_132 = arith.cmpi slt, %iota3A, %lt3A_131 : vector<128x5120xi32>
    %and3A = arith.andi %le3A_127, %lt3A_132 : vector<128x5120xi1>
    %convert_element_type3A_133 = arith.extui %and3A : vector<128x5120xi1> to vector<128x5120xi32>
    %reduce_sum3A = arith.constant dense<0> : vector<128xi32>
    %reduce_sum3A_134 = vector.multi_reduction <add>, %convert_element_type3A_133, %reduce_sum3A [1] : vector<128x5120xi32> to vector<128xi32>
    %broadcast_in_dim3A = vector.shape_cast %reduce_sum3A_134 : vector<128xi32> to vector<128x1xi32>
    %gt3A = arith.constant 5.000000e-01 : f32
    %gt3A_135 = vector.broadcast %gt3A : f32 to vector<128x1xf32>
    %gt3A_136 = arith.cmpf ogt, %get3A_45, %gt3A_135 : vector<128x1xf32>
    %jit3A = arith.constant -1 : i32
    %broadcast_in_dim3A_137 = vector.broadcast %jit3A : i32 to vector<128x1xi32>
    %select_n3A = arith.select %gt3A_136, %broadcast_in_dim3A, %broadcast_in_dim3A_137 : vector<128x1xi1>, vector<128x1xi32>
    %broadcast_in_dim3A_138 = vector.shape_cast %select_n3A : vector<128x1xi32> to vector<128x1xi32>
    %broadcast_in_dim3A_139 = vector.broadcast %broadcast_in_dim3A_138 : vector<128x1xi32> to vector<128x128xi32>
    %swap3A_140 = arith.constant 0 : index
    %swap3A_141 = arith.constant 0 : index
    %swap3A_142 = vector.load %arg4[%swap3A_140, %swap3A_141] : memref<128x128xi32, #tpu.memory_space<vmem>>, vector<128x128xi32>
    tpu.vector_store %arg4[%swap3A_140, %swap3A_141], %broadcast_in_dim3A_139 {strides = array<i32>} : memref<128x128xi32, #tpu.memory_space<vmem>>, vector<128x128xi32>,
    return
  }
  func.func @transform_0(%arg0: i32) -> (i32, i32) {
    %c0_i32 = arith.constant 0 : i32
    %c0_i32_0 = arith.constant 0 : i32
    return %arg0, %c0_i32 : i32, i32
  }
  func.func @transform_1(%arg0: i32) -> (i32, i32) {
    %c0_i32 = arith.constant 0 : i32
    %c0_i32_0 = arith.constant 0 : i32
    %c0_i32_1 = arith.constant 0 : i32
    return %c0_i32, %c0_i32_0 : i32, i32
  }
  func.func @transform_2(%arg0: i32) -> (i32, i32) {
    %c0_i32 = arith.constant 0 : i32
    %c0_i32_0 = arith.constant 0 : i32
    return %arg0, %c0_i32 : i32, i32
  }
  func.func @transform_3(%arg0: i32) -> (i32, i32) {
    %c0_i32 = arith.constant 0 : i32
    %c0_i32_0 = arith.constant 0 : i32
    return %arg0, %c0_i32 : i32, i32
  }
}

</mosaic_0001>

<sc_bundles>
// kernel: gather_offload_async_start.1
scs
__scs_entry_jumppad:
0x0: {  	(pc) =	sbr.rel $0x88, $3  }
0x1: {  	(tag) =	ssettag $0x0;
	lr =	simm.s32 $0x1  }
0x2: {  	[smem:$0x3F9F] =	sst lr;
	_ =	strace $0xD0000000  }
0x3: {  	_ = 	snop  }
0x4: {  	_ = 	snop  }
0x5: {  	_ = 	snop  }
0x6: {  	_ = 	snop  }
0x7: {  	_ = 	snop  }
__scs_overlays_trampoline_lowered:
0x8: {  	[smem:$0x3FAE] =	sst s0  }
0x9: {  	[smem:$0x3FAF] =	sst s1  }
0xa: {  	[smem:$0x3FB0] =	sst s2  }
0xb: {  	[smem:$0x3FB1] =	sst s3  }
0xc: {  	[smem:$0x3FB2] =	sst s4  }
0xd: {  	[smem:$0x3FB3] =	sst s5  }
0xe: {  	[smem:$0x3FB4] =	sst s6  }
0xf: {  	[smem:$0x3FB5] =	sst s7  }
0x10: {  	[smem:$0x3FB6] =	sst s8  }
0x11: {  	[smem:$0x3FB7] =	sst s9;
	s0 =	simm.s32 @!p0 $0x0  }
0x12: {  	s1 =	sld [smem:$0x3F9D];
	s0 =	simm.s32 @p0 $0x1  }
0x13: {  	[smem:$0x3FB8] =	sst s0;
	s0 =	simm.s32 @!p1 $0x0  }
0x14: {  	s2 =	sld [smem:$0x3F9C];
	s0 =	simm.s32 @p1 $0x1  }
0x15: {  	[smem:$0x3FB9] =	sst s0;
	s0 =	simm.s32 @!p2 $0x0  }
0x16: {  	s3 =	sld [smem:$0x3FDB];
	s0 =	simm.s32 @p2 $0x1  }
0x17: {  	s4 =	simm.s32 $0x1BF5;
	[smem:$0x3FBB] =	sst s0  }
0x18: {  	s0 =	sld [smem:$0x3F9E];
	_ =	swait.ge [sflag:s4], $0x0  }
0x19: {  	s7 =	sld [smem:$0x3F9F]  }
0x1a: {  	s8 =	sadd.s32 $0xFFFFE003, lr  }
0x1b: {  	s9 =	sadd.s32 $0xFFFFFEF7, lr;
	s5 =	simm.s32 $0xFFFFFFFF;
	p2 =	slt.u32 s8, $0xFFFFF086  }
0x1c: {  	p1 =	slt.u32 s9, $0xF7A;
	s5 =	simm.s32 @!p2 $0x0  }
0x1d: {  	s5 =	simm.s32 @p1 $0x1;
	p0 =	seq.s32 s7, s2  }
0x1e: {  	s7 =	smul.u32 @!p0 $0xF7A, s2;
	p2 =	seq.s32 @!p0 s5, $0x0  }
0x1f: {  	s9 =	smul.u32 $0xF7A, s1;
	s8 =	simm.s32 @!p0 $0x1BF5;
	p2 =	por !p2, p0  }
0x20: {  	[sflag:s8] =	ssyncset.s32 @!p0 $0xFFFFF086;
	s6 =	sadd.s32 @!p0 s3, s7;
	s7 =	simm.s32 @!p0 $0x108  }
0x21: {  	s3 =	sadd.s32 s3, s9;
	s6 =	sadd.s32 @!p0 $0x88, s6;
	s7 =	simm.s32 @p2 $0x1082  }
0x22: {  	[simem:s7], [sflag:s8] =	dma.local @!p0 [hbm:s6], $0xF7A  }
0x23: {  	s9 =	sor.u32 $0xD0000000, s2;
	s6 =	simm.s32 $0x108;
	_ =	swait.ge @!p0 [sflag:s8], $0x0  }
0x24: {  	s3 =	sadd.s32 $0x88, s3;
	s6 =	simm.s32 @!p1 $0x1082;
	[sflag:s4] =	ssyncset.s32 $0xFFFFF086  }
0x25: {  	[simem:s6], [sflag:s4] =	dma.local [hbm:s3], $0xF7A  }
0x26: {  	[smem:$0x3F9F] =	sst s1;
	(tag) =	ssettag s2;
	_ =	strace s9  }
0x27: {  	s1 =	sld [smem:$0x3FAF]  }
0x28: {  	s2 =	sld [smem:$0x3FB0]  }
0x29: {  	s4 =	sld [smem:$0x3FB2]  }
0x2a: {  	p0 =	seq.s32 s5, $0x0;
	s5 =	sld [smem:$0x3FB3]  }
0x2b: {  	s6 =	sld [smem:$0x3FB4]  }
0x2c: {  	s7 =	sld [smem:$0x3FB5]  }
0x2d: {  	s3 =	simm.s32 $0x108;
	s8 =	sld [smem:$0x3FB6]  }
0x2e: {  	s3 =	simm.s32 @!p0 $0x1082;
	s9 =	sld [smem:$0x3FB7]  }
0x2f: {  	lr =	sadd.s32 s0, s3;
	s0 =	sld [smem:$0x3FAE]  }
0x30: {  	s3 =	sld [smem:$0x3FB1]  }
0x31: {  	[smem:$0x3FBA] =	sst s10  }
0x32: {  	s10 =	sld [smem:$0x3FB8];
	_ =	sdelay $0x3  }
0x33: {  	p0 =	seq.s32 s10, $0x1;
	s10 =	sld [smem:$0x3FBA];
	_ =	sdelay $0x3  }
0x34: {  	[smem:$0x3FBA] =	sst s10  }
0x35: {  	s10 =	sld [smem:$0x3FB9];
	_ =	sdelay $0x3  }
0x36: {  	p1 =	seq.s32 s10, $0x1;
	s10 =	sld [smem:$0x3FBA];
	_ =	sdelay $0x3  }
0x37: {  	[smem:$0x3FBA] =	sst s10  }
0x38: {  	s10 =	sld [smem:$0x3FBB]  }
0x39: {  	_ = 	snop;
	(pc) =	sbr.ind lr, $3  }
0x3a: {  	_ = 	snop  }
0x3b: {  	_ = 	snop  }
0x3c: {  	p2 =	seq.s32 s10, $0x1;
	s10 =	sld [smem:$0x3FBA]  }
0x3d: {  	_ =	shalt  }
0x3e: {  	_ =	shalt  }
0x3f: {  	_ =	shalt  }
0x40: {  	_ =	shalt  }
0x41: {  	_ =	shalt  }
0x42: {  	_ =	shalt  }
0x43: {  	_ =	shalt  }
0x44: {  	_ =	shalt  }
0x45: {  	_ =	shalt  }
0x46: {  	_ =	shalt  }
0x47: {  	_ =	shalt  }
0x48: {  	_ =	shalt  }
0x49: {  	_ =	shalt  }
0x4a: {  	_ =	shalt  }
0x4b: {  	_ =	shalt  }
0x4c: {  	_ =	shalt  }
0x4d: {  	_ =	shalt  }
0x4e: {  	_ =	shalt  }
0x4f: {  	_ =	shalt  }
0x50: {  	_ =	shalt  }
0x51: {  	_ =	shalt  }
0x52: {  	_ =	shalt  }
0x53: {  	_ =	shalt  }
0x54: {  	_ =	shalt  }
0x55: {  	_ =	shalt  }
0x56: {  	_ =	shalt  }
0x57: {  	_ =	shalt  }
0x58: {  	_ =	shalt  }
0x59: {  	_ =	shalt  }
0x5a: {  	_ =	shalt  }
0x5b: {  	_ =	shalt  }
0x5c: {  	_ =	shalt  }
0x5d: {  	_ =	shalt  }
0x5e: {  	_ =	shalt  }
0x5f: {  	_ =	shalt  }
0x60: {  	_ =	shalt  }
0x61: {  	_ =	shalt  }
0x62: {  	_ =	shalt  }
0x63: {  	_ =	shalt  }
0x64: {  	_ =	shalt  }
0x65: {  	_ =	shalt  }
0x66: {  	_ =	shalt  }
0x67: {  	_ =	shalt  }
0x68: {  	_ =	shalt  }
0x69: {  	_ =	shalt  }
0x6a: {  	_ =	shalt  }
0x6b: {  	_ =	shalt  }
0x6c: {  	_ =	shalt  }
0x6d: {  	_ =	shalt  }
0x6e: {  	_ =	shalt  }
0x6f: {  	_ =	shalt  }
0x70: {  	_ =	shalt  }
0x71: {  	_ =	shalt  }
0x72: {  	_ =	shalt  }
0x73: {  	_ =	shalt  }
0x74: {  	_ =	shalt  }
0x75: {  	_ =	shalt  }
0x76: {  	_ =	shalt  }
0x77: {  	_ =	shalt  }
0x78: {  	_ =	shalt  }
0x79: {  	_ =	shalt  }
0x7a: {  	_ =	shalt  }
0x7b: {  	_ =	shalt  }
0x7c: {  	_ =	shalt  }
0x7d: {  	_ =	shalt  }
0x7e: {  	_ =	shalt  }
0x7f: {  	_ =	shalt  }
0x80: {  	_ =	shalt  }
0x81: {  	_ =	shalt  }
0x82: {  	_ =	shalt  }
0x83: {  	_ =	shalt  }
0x84: {  	_ =	shalt  }
0x85: {  	_ =	shalt  }
0x86: {  	_ =	shalt  }
0x87: {  	_ =	shalt  }
.Lfunc_end0:
.L_simem_size_0:
called_computation.1_lowered:
.L_overlay_start_0:
0x88: {  	s0 =	sld [smem:$0x3FD9]  }
0x89: {  	s1 =	sld [smem:$0x3FFE];
	_ =	sdelay $0x3  }
0x8a: {  	s0 =	sadd.s32 s1, s0  }
0x8b: {  	[smem:$0x3FC6] =	sst s0  }
0x8c: {  	_ = 	snop  }
0x8d: {  	(tm) =	ssettm $0x1  }
0x8e: {  	s15 =	sld [smem:$0x3FFB];
	_ =	sdelay $0x3  }
0x8f: {  	_ =	strace s15  }
0x90: {  	s0 =	sld [smem:$0x3FFC];
	_ =	sdelay $0x3  }
0x91: {  	_ =	strace s0  }
0x92: {  	s0 =	sld [smem:$0x3FFD];
	_ =	sdelay $0x3  }
0x93: {  	_ =	strace s0  }
0x94: {  	_ =	strace $0x8FFFFFFF  }
0x95: {  	s16 =	sld [smem:$0x3FDB];
	_ =	sdelay $0x1  }
0x96: {  	s17 =	simm.s32 $_scs_section_size  }
0x97: {  	s2 =	simm.s32 $_size__tile_overlayer_lowered;
	s3 =	simm.s32 $_tile_overlayer_lowered  }
0x98: {  	s20 =	simm.s32 $0x1BFF;
	s19 =	sshll.u32 s3, $0x1;
	s0 =	sadd.s32 s17, s16  }
0x99: {  	s4 =	simm.s32 $0x0;
	s18 =	sshll.u32 s2, $0x1;
	s2 =	sadd.s32 s19, s0  }
0x9a: {  	[timem:s4], [sflag:s20] =	dma.local [hbm:s2], s18  }
0x9b: {  	_ =	swait.ge [sflag:s20], s18  }
0x9c: {  	s1 =	ssub.s32 $0x0, s18;
	[sflag:s20] =	ssyncset.done $0x0  }
0x9d: {  	[sflag:s20] =	ssyncadd.s32 s1;
	_ =	sdelay $0x1  }
0x9e: {  	s21 =	simm.s32 $0x1B8B  }
0x9f: {  	_ =	swait.ge [sflag:s21], $0x1  }
0xa0: {  	[sflag:s21] =	ssyncset.done $0x0  }
0xa1: {  	s23 =	simm.s32 $0x1B8E;
	s22 =	sld [smem:$0x3FFE];
	[sflag:s21] =	ssyncadd.s32 $0xFFFFFFFF  }
0xa2: {  	s24 =	simm.s32 $execute0_lowered;
	[smem:$0x3FD2] =	sst s23  }
0xa3: {  	s2 =	sshll.u32 s24, $0x1;
	_ =	strace $0x8000004C;
	[dreg:$0x1] =	wrdreg $0xFFFFFFFF  }
0xa4: {  	s25 =	simm.s32 $_size_execute0_lowered;
	s0 =	sadd.s32 s0, s2;
	[dreg:$0x0] =	wrdreg $0x0  }
0xa5: {  	s2 =	sshll.u32 s25, $0x1;
	[dreg:$0x2] =	wrdreg s0  }
0xa6: {  	[dreg:$0x3] =	wrdreg s2  }
0xa7: {  	[dreg:$0x4] =	wrdreg $0xC0  }
0xa8: {  	_ =	task [dreg:s4], $0x5FFFF  }
0xa9: {  	[dreg:$0x1] =	wrdreg $0xFFFFFFFF  }
0xaa: {  	[dreg:$0x0] =	wrdreg $0x60  }
0xab: {  	[dreg:$0x2] =	wrdreg s22  }
0xac: {  	[dreg:$0x3] =	wrdreg $0x9  }
0xad: {  	_ =	task.clear_ibuf [dreg:s4], $0x4FFFF;
	_ =	strace $0x9000004C  }
0xae: {  	s26 =	simm.s32 $0x9;
	_ =	strace $0x8000004E  }
0xaf: {  	_ =	swait.ge [sflag:s26], $0x1  }
0xb0: {  	[sflag:s26] =	ssyncadd.s32 $0xFFFFFFFF  }
0xb1: {  	_ =	strace $0x9000004E  }
0xb2: {  	_ =	sfence  }
0xb3: {  	s28 =	sld [smem:$0x0];
	_ =	sdelay $0x1  }
0xb4: {  	s29 =	srdreg.scid  }
0xb5: {  	s30 =	sshll.u32 s29, $0xD;
	s31 =	sshrl.u32 s29, $0x2  }
0xb6: {  	s1 =	sand.u32 $0x1, s29;
	s2 =	sand.u32 $0x4000, s30;
	s0 =	sadd.s32 s31, s28  }
0xb7: {  	s1 =	sor.u32 s2, s1;
	s0 =	sshll.u32 s0, $0x11  }
0xb8: {  	s0 =	sor.u32 s0, s1  }
0xb9: {  	s0 =	sadd.s32 $0x8F2B, s0  }
0xba: {  	[sflag:s0] =	ssyncadd.remote.s32 $0x1  }
0xbb: {  	_ =	sfence.sel $0xFFFF  }
0xbc: {  	[dreg:$0x0] =	wrdreg $0xFFFFFFFF;
	(pc) =	sbr.abs _section_cstart, $3  }
0xbd: {  	[dreg:$0x1] =	wrdreg $0xFFFFFFFF  }
0xbe: {  	_ =	task.clear_ibuf [dreg:s4], $0x2FFFF;
	_ =	strace $0x9FFFFFFF  }
0xbf: {  	(tm) =	ssettm $0x7FFFFFFF  }
tec
execute0_lowered:
.L_overlay_start_1:
0x0: {  	(tag) =	ssettag $0x1  }
0x1: {  	s5 =	rddreg [dreg:$0x0]  }
0x2: {  	s0 =	rddreg [dreg:$0x1]  }
0x3: {  	_ =	strace $0x8000004D;
	s1 =	stileid.u32;
	s6 =	simm.s32 $0x1  }
0x4: {  	s8 =	simm.s32 $0x2;
	s30 =	simm.s32 $0x3;
	s12 =	simm.s32 $0x0  }
0x5: {  	s9 =	simm.s32 $0x0;
	s10 =	simm.s32 $0x0;
	s4 =	sshll.u32 s1, $0x4  }
0x6: {  	s2 =	sadd.s32 $0x1D600, s5;
	s3 =	sadd.s32 $0x21600, s5;
	s7 =	ssub.s32 $0xBB0, s4  }
0x7: {  	s5 =	sadd.s32 $0x2D400, s5;
	[sflag:s6] =	ssyncpa.u1 $0x0;
	s6 =	sshrl.u32 s7, $0x8  }
0x8: {  	[sflag:s8] =	ssyncpa.u1 $0x0;
	s11 =	smov.u32 s4;
	s31 =	sshll.u32 s6, $0x4  }
0x9: {  	[sflag:s30] =	ssyncpa.u1 $0x0;
	s7 =	sadd.s32 $0x2, s6;
	s8 =	sadd.s32 $0x30, s31  }
.LBB2_1:
0xa: {  	p0 =	sgt.u32 s10, s6  }
0xb: {  	s13 =	sxor.u32 @!p0 $0xFFFFFFFF, s9;
	s14 =	sshrl.u32 @!p0 s11, $0x3  }
0xc: {  	s15 =	sand.u32 @!p0 $0x7, s11;
	s13 =	sand.u32 @!p0 $0x10, s13;
	s14 =	sadd.s32 @!p0 s3, s14  }
0xd: {  	[tilespmem:s13], [sflag:$0x2] =	stream.linear.gather @!p0 [hbm4b:s14+s15], $0x10, $0x38;
	[tilespmem:$0x40] =	vst v63  }
0xe: {  	p0 =	seq.s32 s9, $0x0  }
0xf: {  	p1 =	sge.u32 @!p0 s10, s7  }
0x10: {  	p0 =	por p1, p0  }
0x11: {  	s13 =	simm.s32 @!p0 $0x2  }
0x12: {  	_ =	swait.ge @!p0 [sflag:s13], $0x10  }
0x13: {  	[sflag:s13] =	ssyncset.done @!p0 $0x0  }
0x14: {  	[sflag:s13] =	ssyncadd.s32 @!p0 $0xFFFFFFF0;
	s13 =	sand.u32 @!p0 $0x10, s9  }
0x15: {  	(ifvalue) =	ssetifvalue @!p0 $0x7FFFFFFF;
	v0 =	vld.msk @!p0 [tilespmem:s13+$0x0 ss:$0x1], $0xffff;
	_ =	sdelay $0x4  }
0x16: {  	v1 =	vshrl.u32 @!p0 v0, $0xA;
	v2 =	vshll.u32 @!p0 v0, $0x7  }
0x17: {  	vm0 =	veq.s32 @!p0 v0, $0x80000000;
	v0 =	vand.u32 @!p0 $0x3, v1;
	v1 =	vand.u32 @!p0 $0x1FF80, v2  }
0x18: {  	v0 =	vsel @!p0 vm0, $0xFFFFFFFF, v0;
	v1 =	vsel @!p0 vm0, $0xFFFFFF80, v1  }
0x19: {  	v2 =	vand.u32 @!p0 $0xFFFFFC00, v1;
	v3 =	vand.u32 @!p0 $0xFFFFFC00, v0  }
0x1a: {  	v1 =	vand.u32 @!p0 $0x380, v1;
	v2 =	vadd.s32 @!p0 v3, v2  }
0x1b: {  	v0 =	vand.u32 @!p0 $0x7F, v0;
	v1 =	vor.u32 @!p0 v1, v2  }
0x1c: {  	v0 =	vor.u32 @!p0 v0, v1;
	_ =	sdelay $0x3  }
0x1d: {  	s14 =	simm.s32 @!p0 $0x0;
	s13 =	sor.u32 @!p0 $0x20, s13;
	(ifvalue) =	ssetifvalue @!p0 $0x7FFFFFFF;
	vm0 =	vmmov @!p0 $0xffff  }
0x1e: {  	[tilespmem:s13], [sflag:$0x1] =	stream.indirect_vreg.gather @!p0 [hbm4b:s2+s14], $0x1, v0, vm0, $0x4038;
	[tilespmem:$0x40] =	vst v63  }
0x1f: {  	s14 =	simm.s32 @!p0 $0x1  }
0x20: {  	_ =	swait.ge @!p0 [sflag:s14], $0x10  }
0x21: {  	s15 =	sshrl.u32 @!p0 s12, $0x3;
	[sflag:s14] =	ssyncset.done @!p0 $0x0  }
0x22: {  	s12 =	sand.u32 @!p0 $0x7, s12;
	[sflag:s14] =	ssyncadd.s32 @!p0 $0xFFFFFFF0;
	s14 =	sadd.s32 @!p0 s5, s15  }
0x23: {  	[hbm4b:s14+s12] =	stream.linear.scatter @!p0 [tilespmem:s13], [sflag:$0x3], $0x10, $0x38;
	[tilespmem:$0x40] =	vst v63  }
0x24: {  	s14 =	sadd.s32 $0x100, s11  }
0x25: {  	s9 =	sadd.s32 $0x10, s9;
	p1 =	sgt.s32 s14, $0xBB7  }
0x26: {  	s14 =	smov.u32 @p1 s4;
	p1 =	sne.s32 s8, s9  }
.Ltmp0:
0x27: {  	p0 =	slt.u32 s10, $0x2;
	(pc) =	sbr.rel @p1 .LBB2_1-.Ltmp0, $4  }
0x28: {  	s13 =	simm.s32 @!p0 $0x3  }
0x29: {  	_ =	swait.ge @!p0 [sflag:s13], $0x10  }
0x2a: {  	s12 =	smov.u32 s11;
	[sflag:s13] =	ssyncset.done @!p0 $0x0  }
0x2b: {  	s10 =	sadd.s32 $0x1, s10;
	s11 =	smov.u32 s14;
	[sflag:s13] =	ssyncadd.s32 @!p0 $0xFFFFFFF0  }
0x2c: {  	_ =	sfence.sel $0x180000  }
0x2d: {  	s2 =	simm.s32 $0x2;
	[bflag:$0x0] =	sbarrier.arrive $0xFFFF  }
0x2e: {  	s30 =	simm.s32 $0x3;
	[sflag:s2] =	ssyncpa.u1 $0x1  }
0x2f: {  	s31 =	simm.s32 $0x1;
	[sflag:s30] =	ssyncpa.u1 $0x1  }
0x30: {  	[sflag:s31] =	ssyncpa.u1 $0x1  }
0x31: {  	p0 =	sne.s32 s1, $0x0;
	_ =	strace $0x9000004D  }
0x32: {  	s0 =	sadd.s32 @!p0 $0x100000, s0;
	[bflag:$0x2] =	sbarrier.arrive $0xFFFF  }
0x33: {  	[sflag:s0] =	ssyncadd.tile.s32 @!p0 $0x1;
	_ =	shalt  }
.Lfunc_end2:
_tile_overlayer_lowered:
.L_overlay_start_2:
0x34: {  	(tag) =	ssettag $0x2  }
0x35: {  	s0 =	rddreg [dreg:$0x0];
	s2 =	stileid.u32  }
0x36: {  	s1 =	rddreg [dreg:$0x1];
	p0 =	sne.s32 s2, $0x0  }
0x37: {  	s3 =	rddreg [dreg:$0x2];
	[bflag:$0x3] =	sbarrier.arrive $0xFFFF;
	s2 =	simm.s32 @!p0 $0x1C01  }
0x38: {  	[timem:s3], [sflag:s2] =	dma.local @!p0 [hbm:s0], s1  }
0x39: {  	s0 =	simm.s32 @!p0 $0x1  }
0x3a: {  	_ =	swait.ge @!p0 [sflag:s0], s1  }
0x3b: {  	s1 =	ssub.s32 @!p0 $0x0, s1;
	[sflag:s0] =	ssyncset.done @!p0 $0x0  }
0x3c: {  	[sflag:s0] =	ssyncadd.s32 @!p0 s1  }
0x3d: {  	[bflag:$0x3] =	sbarrier.arrive $0xFFFF  }
0x3e: {  	_ =	shalt  }

// kernel: gather_offload_async_start
scs
__scs_entry_jumppad:
0x0: {  	(pc) =	sbr.rel $0x88, $3  }
0x1: {  	(tag) =	ssettag $0x0;
	lr =	simm.s32 $0x1  }
0x2: {  	[smem:$0x3F9F] =	sst lr;
	_ =	strace $0xD0000000  }
0x3: {  	_ = 	snop  }
0x4: {  	_ = 	snop  }
0x5: {  	_ = 	snop  }
0x6: {  	_ = 	snop  }
0x7: {  	_ = 	snop  }
__scs_overlays_trampoline_lowered:
0x8: {  	[smem:$0x3FAE] =	sst s0  }
0x9: {  	[smem:$0x3FAF] =	sst s1  }
0xa: {  	[smem:$0x3FB0] =	sst s2  }
0xb: {  	[smem:$0x3FB1] =	sst s3  }
0xc: {  	[smem:$0x3FB2] =	sst s4  }
0xd: {  	[smem:$0x3FB3] =	sst s5  }
0xe: {  	[smem:$0x3FB4] =	sst s6  }
0xf: {  	[smem:$0x3FB5] =	sst s7  }
0x10: {  	[smem:$0x3FB6] =	sst s8  }
0x11: {  	[smem:$0x3FB7] =	sst s9;
	s0 =	simm.s32 @!p0 $0x0  }
0x12: {  	s1 =	sld [smem:$0x3F9D];
	s0 =	simm.s32 @p0 $0x1  }
0x13: {  	[smem:$0x3FB8] =	sst s0;
	s0 =	simm.s32 @!p1 $0x0  }
0x14: {  	s2 =	sld [smem:$0x3F9C];
	s0 =	simm.s32 @p1 $0x1  }
0x15: {  	[smem:$0x3FB9] =	sst s0;
	s0 =	simm.s32 @!p2 $0x0  }
0x16: {  	s3 =	sld [smem:$0x3FDB];
	s0 =	simm.s32 @p2 $0x1  }
0x17: {  	s4 =	simm.s32 $0x1BF5;
	[smem:$0x3FBB] =	sst s0  }
0x18: {  	s0 =	sld [smem:$0x3F9E];
	_ =	swait.ge [sflag:s4], $0x0  }
0x19: {  	s7 =	sld [smem:$0x3F9F]  }
0x1a: {  	s8 =	sadd.s32 $0xFFFFE003, lr  }
0x1b: {  	s9 =	sadd.s32 $0xFFFFFEF7, lr;
	s5 =	simm.s32 $0xFFFFFFFF;
	p2 =	slt.u32 s8, $0xFFFFF086  }
0x1c: {  	p1 =	slt.u32 s9, $0xF7A;
	s5 =	simm.s32 @!p2 $0x0  }
0x1d: {  	s5 =	simm.s32 @p1 $0x1;
	p0 =	seq.s32 s7, s2  }
0x1e: {  	s7 =	smul.u32 @!p0 $0xF7A, s2;
	p2 =	seq.s32 @!p0 s5, $0x0  }
0x1f: {  	s9 =	smul.u32 $0xF7A, s1;
	s8 =	simm.s32 @!p0 $0x1BF5;
	p2 =	por !p2, p0  }
0x20: {  	[sflag:s8] =	ssyncset.s32 @!p0 $0xFFFFF086;
	s6 =	sadd.s32 @!p0 s3, s7;
	s7 =	simm.s32 @!p0 $0x108  }
0x21: {  	s3 =	sadd.s32 s3, s9;
	s6 =	sadd.s32 @!p0 $0x88, s6;
	s7 =	simm.s32 @p2 $0x1082  }
0x22: {  	[simem:s7], [sflag:s8] =	dma.local @!p0 [hbm:s6], $0xF7A  }
0x23: {  	s9 =	sor.u32 $0xD0000000, s2;
	s6 =	simm.s32 $0x108;
	_ =	swait.ge @!p0 [sflag:s8], $0x0  }
0x24: {  	s3 =	sadd.s32 $0x88, s3;
	s6 =	simm.s32 @!p1 $0x1082;
	[sflag:s4] =	ssyncset.s32 $0xFFFFF086  }
0x25: {  	[simem:s6], [sflag:s4] =	dma.local [hbm:s3], $0xF7A  }
0x26: {  	[smem:$0x3F9F] =	sst s1;
	(tag) =	ssettag s2;
	_ =	strace s9  }
0x27: {  	s1 =	sld [smem:$0x3FAF]  }
0x28: {  	s2 =	sld [smem:$0x3FB0]  }
0x29: {  	s4 =	sld [smem:$0x3FB2]  }
0x2a: {  	p0 =	seq.s32 s5, $0x0;
	s5 =	sld [smem:$0x3FB3]  }
0x2b: {  	s6 =	sld [smem:$0x3FB4]  }
0x2c: {  	s7 =	sld [smem:$0x3FB5]  }
0x2d: {  	s3 =	simm.s32 $0x108;
	s8 =	sld [smem:$0x3FB6]  }
0x2e: {  	s3 =	simm.s32 @!p0 $0x1082;
	s9 =	sld [smem:$0x3FB7]  }
0x2f: {  	lr =	sadd.s32 s0, s3;
	s0 =	sld [smem:$0x3FAE]  }
0x30: {  	s3 =	sld [smem:$0x3FB1]  }
0x31: {  	[smem:$0x3FBA] =	sst s10  }
0x32: {  	s10 =	sld [smem:$0x3FB8];
	_ =	sdelay $0x3  }
0x33: {  	p0 =	seq.s32 s10, $0x1;
	s10 =	sld [smem:$0x3FBA];
	_ =	sdelay $0x3  }
0x34: {  	[smem:$0x3FBA] =	sst s10  }
0x35: {  	s10 =	sld [smem:$0x3FB9];
	_ =	sdelay $0x3  }
0x36: {  	p1 =	seq.s32 s10, $0x1;
	s10 =	sld [smem:$0x3FBA];
	_ =	sdelay $0x3  }
0x37: {  	[smem:$0x3FBA] =	sst s10  }
0x38: {  	s10 =	sld [smem:$0x3FBB]  }
0x39: {  	_ = 	snop;
	(pc) =	sbr.ind lr, $3  }
0x3a: {  	_ = 	snop  }
0x3b: {  	_ = 	snop  }
0x3c: {  	p2 =	seq.s32 s10, $0x1;
	s10 =	sld [smem:$0x3FBA]  }
0x3d: {  	_ =	shalt  }
0x3e: {  	_ =	shalt  }
0x3f: {  	_ =	shalt  }
0x40: {  	_ =	shalt  }
0x41: {  	_ =	shalt  }
0x42: {  	_ =	shalt  }
0x43: {  	_ =	shalt  }
0x44: {  	_ =	shalt  }
0x45: {  	_ =	shalt  }
0x46: {  	_ =	shalt  }
0x47: {  	_ =	shalt  }
0x48: {  	_ =	shalt  }
0x49: {  	_ =	shalt  }
0x4a: {  	_ =	shalt  }
0x4b: {  	_ =	shalt  }
0x4c: {  	_ =	shalt  }
0x4d: {  	_ =	shalt  }
0x4e: {  	_ =	shalt  }
0x4f: {  	_ =	shalt  }
0x50: {  	_ =	shalt  }
0x51: {  	_ =	shalt  }
0x52: {  	_ =	shalt  }
0x53: {  	_ =	shalt  }
0x54: {  	_ =	shalt  }
0x55: {  	_ =	shalt  }
0x56: {  	_ =	shalt  }
0x57: {  	_ =	shalt  }
0x58: {  	_ =	shalt  }
0x59: {  	_ =	shalt  }
0x5a: {  	_ =	shalt  }
0x5b: {  	_ =	shalt  }
0x5c: {  	_ =	shalt  }
0x5d: {  	_ =	shalt  }
0x5e: {  	_ =	shalt  }
0x5f: {  	_ =	shalt  }
0x60: {  	_ =	shalt  }
0x61: {  	_ =	shalt  }
0x62: {  	_ =	shalt  }
0x63: {  	_ =	shalt  }
0x64: {  	_ =	shalt  }
0x65: {  	_ =	shalt  }
0x66: {  	_ =	shalt  }
0x67: {  	_ =	shalt  }
0x68: {  	_ =	shalt  }
0x69: {  	_ =	shalt  }
0x6a: {  	_ =	shalt  }
0x6b: {  	_ =	shalt  }
0x6c: {  	_ =	shalt  }
0x6d: {  	_ =	shalt  }
0x6e: {  	_ =	shalt  }
0x6f: {  	_ =	shalt  }
0x70: {  	_ =	shalt  }
0x71: {  	_ =	shalt  }
0x72: {  	_ =	shalt  }
0x73: {  	_ =	shalt  }
0x74: {  	_ =	shalt  }
0x75: {  	_ =	shalt  }
0x76: {  	_ =	shalt  }
0x77: {  	_ =	shalt  }
0x78: {  	_ =	shalt  }
0x79: {  	_ =	shalt  }
0x7a: {  	_ =	shalt  }
0x7b: {  	_ =	shalt  }
0x7c: {  	_ =	shalt  }
0x7d: {  	_ =	shalt  }
0x7e: {  	_ =	shalt  }
0x7f: {  	_ =	shalt  }
0x80: {  	_ =	shalt  }
0x81: {  	_ =	shalt  }
0x82: {  	_ =	shalt  }
0x83: {  	_ =	shalt  }
0x84: {  	_ =	shalt  }
0x85: {  	_ =	shalt  }
0x86: {  	_ =	shalt  }
0x87: {  	_ =	shalt  }
.Lfunc_end0:
.L_simem_size_0:
called_computation_lowered:
.L_overlay_start_0:
0x88: {  	s0 =	sld [smem:$0x3FD9]  }
0x89: {  	s1 =	sld [smem:$0x3FFE];
	_ =	sdelay $0x3  }
0x8a: {  	s0 =	sadd.s32 s1, s0  }
0x8b: {  	[smem:$0x3FC6] =	sst s0  }
0x8c: {  	_ = 	snop  }
0x8d: {  	(tm) =	ssettm $0x1  }
0x8e: {  	s15 =	sld [smem:$0x3FFB];
	_ =	sdelay $0x3  }
0x8f: {  	_ =	strace s15  }
0x90: {  	s0 =	sld [smem:$0x3FFC];
	_ =	sdelay $0x3  }
0x91: {  	_ =	strace s0  }
0x92: {  	s0 =	sld [smem:$0x3FFD];
	_ =	sdelay $0x3  }
0x93: {  	_ =	strace s0  }
0x94: {  	_ =	strace $0x8FFFFFFF  }
0x95: {  	s16 =	sld [smem:$0x3FDB];
	_ =	sdelay $0x1  }
0x96: {  	s17 =	simm.s32 $_scs_section_size  }
0x97: {  	s2 =	simm.s32 $_size__tile_overlayer_lowered;
	s3 =	simm.s32 $_tile_overlayer_lowered  }
0x98: {  	s20 =	simm.s32 $0x1BFF;
	s19 =	sshll.u32 s3, $0x1;
	s0 =	sadd.s32 s17, s16  }
0x99: {  	s4 =	simm.s32 $0x0;
	s18 =	sshll.u32 s2, $0x1;
	s2 =	sadd.s32 s19, s0  }
0x9a: {  	[timem:s4], [sflag:s20] =	dma.local [hbm:s2], s18  }
0x9b: {  	_ =	swait.ge [sflag:s20], s18  }
0x9c: {  	s1 =	ssub.s32 $0x0, s18;
	[sflag:s20] =	ssyncset.done $0x0  }
0x9d: {  	[sflag:s20] =	ssyncadd.s32 s1;
	_ =	sdelay $0x1  }
0x9e: {  	s21 =	simm.s32 $0x1B8B  }
0x9f: {  	_ =	swait.ge [sflag:s21], $0x1  }
0xa0: {  	[sflag:s21] =	ssyncset.done $0x0  }
0xa1: {  	s23 =	simm.s32 $0x1B8E;
	s22 =	sld [smem:$0x3FFE];
	[sflag:s21] =	ssyncadd.s32 $0xFFFFFFFF  }
0xa2: {  	s24 =	simm.s32 $execute0_lowered;
	[smem:$0x3FD2] =	sst s23  }
0xa3: {  	s2 =	sshll.u32 s24, $0x1;
	_ =	strace $0x80000049;
	[dreg:$0x1] =	wrdreg $0xFFFFFFFF  }
0xa4: {  	s25 =	simm.s32 $_size_execute0_lowered;
	s0 =	sadd.s32 s0, s2;
	[dreg:$0x0] =	wrdreg $0x0  }
0xa5: {  	s2 =	sshll.u32 s25, $0x1;
	[dreg:$0x2] =	wrdreg s0  }
0xa6: {  	[dreg:$0x3] =	wrdreg s2  }
0xa7: {  	[dreg:$0x4] =	wrdreg $0xC0  }
0xa8: {  	_ =	task [dreg:s4], $0x5FFFF  }
0xa9: {  	[dreg:$0x1] =	wrdreg $0xFFFFFFFF  }
0xaa: {  	[dreg:$0x0] =	wrdreg $0x60  }
0xab: {  	[dreg:$0x2] =	wrdreg s22  }
0xac: {  	[dreg:$0x3] =	wrdreg $0x9  }
0xad: {  	_ =	task.clear_ibuf [dreg:s4], $0x4FFFF;
	_ =	strace $0x90000049  }
0xae: {  	s26 =	simm.s32 $0x9;
	_ =	strace $0x8000004B  }
0xaf: {  	_ =	swait.ge [sflag:s26], $0x1  }
0xb0: {  	[sflag:s26] =	ssyncadd.s32 $0xFFFFFFFF  }
0xb1: {  	_ =	strace $0x9000004B  }
0xb2: {  	_ =	sfence  }
0xb3: {  	s28 =	sld [smem:$0x0];
	_ =	sdelay $0x1  }
0xb4: {  	s29 =	srdreg.scid  }
0xb5: {  	s30 =	sshll.u32 s29, $0xD;
	s31 =	sshrl.u32 s29, $0x2  }
0xb6: {  	s1 =	sand.u32 $0x1, s29;
	s2 =	sand.u32 $0x4000, s30;
	s0 =	sadd.s32 s31, s28  }
0xb7: {  	s1 =	sor.u32 s2, s1;
	s0 =	sshll.u32 s0, $0x11  }
0xb8: {  	s0 =	sor.u32 s0, s1  }
0xb9: {  	s0 =	sadd.s32 $0x8F2B, s0  }
0xba: {  	[sflag:s0] =	ssyncadd.remote.s32 $0x1  }
0xbb: {  	_ =	sfence.sel $0xFFFF  }
0xbc: {  	[dreg:$0x0] =	wrdreg $0xFFFFFFFF;
	(pc) =	sbr.abs _section_cstart, $3  }
0xbd: {  	[dreg:$0x1] =	wrdreg $0xFFFFFFFF  }
0xbe: {  	_ =	task.clear_ibuf [dreg:s4], $0x2FFFF;
	_ =	strace $0x9FFFFFFF  }
0xbf: {  	(tm) =	ssettm $0x7FFFFFFF  }
tec
execute0_lowered:
.L_overlay_start_1:
0x0: {  	(tag) =	ssettag $0x1  }
0x1: {  	s0 =	stileid.u32  }
0x2: {  	s1 =	smin.u32 s0, $0x9  }
0x3: {  	s1 =	sadd.s32 s0, s1  }
0x4: {  	p0 =	slt.u32 s0, $0x9;
	s2 =	smul.u32 $0x78, s1;
	s1 =	simm.s32 $0xF0  }
0x5: {  	s1 =	simm.s32 @!p0 $0x78  }
0x6: {  	s1 =	sadd.s32 s1, s2  }
0x7: {  	s3 =	smin.u32 s1, $0xBB8  }
0x8: {  	s7 =	ssub.s32 s3, s2  }
0x9: {  	p0 =	sgt.s32 s7, $0x0  }
0xa: {  	s7 =	simm.s32 @!p0 $0x0  }
0xb: {  	s31 =	smul.u32 $0x8889, s7  }
0xc: {  	s9 =	rddreg [dreg:$0x0];
	s6 =	simm.s32 $0x1;
	s11 =	simm.s32 $0x3  }
0xd: {  	s13 =	simm.s32 $0x0;
	s12 =	simm.s32 $0x0;
	s8 =	sshrl.u32 s31, $0x16  }
0xe: {  	s4 =	sadd.s32 $0x21800, s9;
	s5 =	sadd.s32 $0x21600, s9;
	s10 =	smul.u32 $0x78, s8  }
.Ltmp0:
0xf: {  	s9 =	sadd.s32 $0x39800, s9;
	s1 =	rddreg [dreg:$0x1];
	(pc) =	sbr.rel .LBB2_1-.Ltmp0, $4  }
0x10: {  	_ =	strace $0x8000004A;
	p0 =	sne.s32 s7, s10;
	s10 =	simm.s32 $0x1  }
0x11: {  	[sflag:s6] =	ssyncpa.u1 $0x0;
	s7 =	simm.s32 $0x2;
	s10 =	simm.s32 @!p0 $0x0  }
0x12: {  	[sflag:s7] =	ssyncpa.u1 $0x0;
	p0 =	por $0x0, $0x0;
	s8 =	sadd.s32 s8, s10  }
0x13: {  	vm0 =	vmmov $0xff;
	vm1 =	vcmask $0x3F20;
	[sflag:s11] =	ssyncpa.u1 $0x0;
	s11 =	smov.u32 s2;
	s10 =	sadd.s32 $0x1, s8  }
.LBB2_6:
0x14: {  	[hbm:s17] =	stream.linear.scatter [tilespmem:s14], [sflag:$0x3], $0x400, $0x38;
	[tilespmem:$0x78F0] =	vst v63  }
.LBB2_7:
0x15: {  	s13 =	sadd.s32 $0x78, s11  }
0x16: {  	s15 =	smov.u32 s2;
	p2 =	slt.s32 s13, s3  }
0x17: {  	s15 =	smov.u32 @p2 s13;
	p2 =	sne.s32 s12, s10  }
.Ltmp1:
0x18: {  	p1 =	slt.u32 s12, $0x2;
	(pc) =	sbr.rel @!p2 .LBB2_8-.Ltmp1, $4  }
0x19: {  	s14 =	simm.s32 @!p1 $0x3  }
0x1a: {  	s16 =	sadd.s32 $0x1, s12;
	_ =	swait.ge @!p1 [sflag:s14], $0x3C00  }
0x1b: {  	p0 =	por !p0, !p0;
	s13 =	smov.u32 s11;
	[sflag:s14] =	ssyncset.done @!p1 $0x0  }
0x1c: {  	s12 =	smov.u32 s16;
	s11 =	smov.u32 s15;
	[sflag:s14] =	ssyncadd.s32 @!p1 $0xFFFFC400  }
.LBB2_1:
0x1d: {  	p1 =	sge.u32 s12, s8  }
0x1e: {  	s14 =	sxor.u32 @!p1 $0xFFFFFFFF, s12  }
0x1f: {  	s14 =	sand.u32 @!p1 $0x1, s14  }
0x20: {  	s14 =	smul.u32 @!p1 $0x1E0, s14  }
0x21: {  	s31 =	sadd.s32 $0xFFFFFFFF, s12;
	s15 =	sshrl.u32 @!p1 s11, $0x3  }
0x22: {  	s16 =	sand.u32 @!p1 $0x7, s11;
	s15 =	sadd.s32 @!p1 s5, s15;
	s14 =	sshrl.u32 @!p1 s14, $0x2  }
0x23: {  	[tilespmem:s14], [sflag:$0x2] =	stream.linear.gather @!p1 [hbm4b:s15+s16], $0x78, $0x38;
	[tilespmem:$0x78F0] =	vst v63  }
0x24: {  	p1 =	sge.u32 s31, s8  }
.Ltmp2:
0x25: {  	_ = 	snop;
	(pc) =	sbr.rel @p1 .LBB2_7-.Ltmp2, $1  }
0x26: {  	_ =	sdelay $0x3  }
0x27: {  	s14 =	simm.s32 $0x1  }
0x28: {  	s14 =	simm.s32 @!p0 $0x0  }
0x29: {  	s15 =	smul.u32 $0x1E0, s14  }
0x2a: {  	_ =	swait.ge [sflag:s7], $0x78  }
0x2b: {  	[sflag:s7] =	ssyncset.done $0x0;
	s17 =	sshrl.u32 s15, $0x2  }
0x2c: {  	[sflag:s7] =	ssyncadd.s32 $0xFFFFFF88;
	s15 =	sadd.s32 $0x0, s17  }
0x2d: {  	v0 =	vld.msk [tilespmem:s15+$0x0 ss:$0x1], $0xffff;
	_ =	sdelay $0x4  }
0x2e: {  	v1 =	vshrl.u32 v0, $0xA  }
0x2f: {  	v2 =	vshll.u32 v0, $0x7;
	v1 =	vand.u32 $0x3, v1  }
0x30: {  	vm2 =	veq.s32 v0, $0x80000000;
	v0 =	vmul.u32 $0x1F400, v1;
	v1 =	vand.u32 $0x1FF80, v2  }
0x31: {  	v1 =	vsel vm2, $0xFFFFFF80, v1  }
0x32: {  	v0 =	vsel vm2, $0xFFFE0C00, v0;
	v2 =	vand.u32 $0xFFFFFC00, v1  }
0x33: {  	v1 =	vand.u32 $0x380, v1;
	v0 =	vadd.s32 v2, v0  }
0x34: {  	v0 =	vor.u32 v1, v0  }
0x35: {  	v0 =	vshrl.u32 v0, $0x3  }
0x36: {  	s14 =	smul.u32 $0xF000, s14  }
0x37: {  	s31 =	sand.u32 $0x1, s12  }
0x38: {  	s16 =	smul.u32 $0x1E0, s31;
	s14 =	sshrl.u32 s14, $0x2  }
0x39: {  	s19 =	smul.u32 $0xF000, s31;
	s14 =	sor.u32 $0xF0, s14  }
0x3a: {  	[tilespmem:s14], [sflag:$0x1] =	stream.indirect_vreg.gather [hbm:s4], $0x80, v0, vm0, $0x38;
	[tilespmem:$0x78F0] =	vst v63  }
0x3b: {  	s18 =	sshrl.u32 s16, $0x2;
	s20 =	sadd.s32 $0x10, s17;
	s15 =	sadd.s32 $0x400, s14  }
0x3c: {  	[tilespmem:s15], [sflag:$0x1] =	stream.indirect_vreg.gather [hbm:s4], $0x80, v0, vm1, $0x38;
	[tilespmem:$0x78F0] =	vst v63  }
0x3d: {  	s16 =	sshrl.u32 s19, $0x2;
	s19 =	smov.u32 s14;
	v0 =	vld.msk [tilespmem:s20+$0x0 ss:$0x1], $0xffff;
	s20 =	simm.s32 $0x80  }
.LBB2_3:
0x3e: {  	p1 =	sne.s32 s20, $0x180;
	_ =	sdelay $0x4  }
0x3f: {  	v1 =	vshrl.u32 v0, $0xA  }
0x40: {  	v2 =	vshll.u32 v0, $0x7;
	v1 =	vand.u32 $0x3, v1  }
0x41: {  	vm2 =	veq.s32 v0, $0x80000000;
	v0 =	vmul.u32 $0x1F400, v1;
	v1 =	vand.u32 $0x1FF80, v2  }
0x42: {  	v1 =	vsel vm2, $0xFFFFFF80, v1  }
0x43: {  	v0 =	vsel vm2, $0xFFFE0C00, v0;
	v2 =	vand.u32 $0xFFFFFC00, v1  }
0x44: {  	v1 =	vand.u32 $0x380, v1;
	v0 =	vadd.s32 v2, v0  }
0x45: {  	v0 =	vor.u32 v1, v0  }
0x46: {  	v0 =	vshrl.u32 v0, $0x3;
	_ =	sdelay $0x3  }
.Ltmp3:
0x47: {  	s21 =	sshra.s32 s20, $0x2;
	s19 =	sadd.s32 $0x800, s19;
	(pc) =	sbr.rel @p1 .LBB2_3-.Ltmp3, $4  }
0x48: {  	[tilespmem:s19], [sflag:$0x1] =	stream.indirect_vreg.gather [hbm:s4], $0x80, v0, vm0, $0x38;
	[tilespmem:$0x78F0] =	vst v63  }
0x49: {  	s21 =	sadd.s32 s21, s17;
	s22 =	sadd.s32 $0x400, s19  }
0x4a: {  	[tilespmem:s22], [sflag:$0x1] =	stream.indirect_vreg.gather [hbm:s4], $0x80, v0, vm1, $0x38;
	[tilespmem:$0x78F0] =	vst v63  }
0x4b: {  	s20 =	sadd.s32 $0x40, s20;
	v0 =	vld.msk [tilespmem:s21+$0x0 ss:$0x1], $0xffff  }
0x4c: {  	_ =	sdelay $0x3  }
0x4d: {  	v1 =	vshrl.u32 v0, $0xA  }
0x4e: {  	v2 =	vshll.u32 v0, $0x7;
	v1 =	vand.u32 $0x3, v1  }
0x4f: {  	vm2 =	veq.s32 v0, $0x80000000;
	v57 =	vand.u32 $0x1FF80, v2;
	v56 =	vmul.u32 $0x1F400, v1  }
0x50: {  	v1 =	vsel vm2, $0xFFFFFF80, v57  }
0x51: {  	v58 =	vand.u32 $0xFFFFFC00, v1;
	v0 =	vsel vm2, $0xFFFE0C00, v56  }
0x52: {  	v1 =	vand.u32 $0x380, v1;
	v0 =	vadd.s32 v58, v0  }
0x53: {  	v0 =	vor.u32 v1, v0  }
0x54: {  	v0 =	vshrl.u32 v0, $0x3;
	_ =	sdelay $0x3  }
0x55: {  	s17 =	sadd.s32 $0x800, s19  }
0x56: {  	[tilespmem:s17], [sflag:$0x1] =	stream.indirect_vreg.gather [hbm:s4], $0x80, v0, vm0, $0x38;
	[tilespmem:$0x78F0] =	vst v63  }
0x57: {  	s17 =	sadd.s32 $0x400, s17  }
0x58: {  	[tilespmem:s17], [sflag:$0x1] =	stream.indirect_vreg.gather [hbm:s4], $0x80, v0, vm1, $0x38;
	[tilespmem:$0x78F0] =	vst v63  }
0x59: {  	v0 =	vld.msk [tilespmem:s18+$0x70 ss:$0x1], $0xff;
	_ =	sdelay $0x4  }
0x5a: {  	v59 =	vshrl.u32 v0, $0xA  }
0x5b: {  	v60 =	vshll.u32 v0, $0x7;
	v1 =	vand.u32 $0x3, v59  }
0x5c: {  	vm2 =	veq.s32 v0, $0x80000000;
	v62 =	vand.u32 $0x1FF80, v60;
	v61 =	vmul.u32 $0x1F400, v1  }
0x5d: {  	v1 =	vsel vm2, $0xFFFFFF80, v62  }
0x5e: {  	v63 =	vand.u32 $0xFFFFFC00, v1;
	v0 =	vsel vm2, $0xFFFE0C00, v61  }
0x5f: {  	v1 =	vand.u32 $0x380, v1;
	v0 =	vadd.s32 v63, v0  }
0x60: {  	v0 =	vor.u32 v1, v0  }
0x61: {  	v0 =	vshrl.u32 v0, $0x3;
	_ =	sdelay $0x3  }
0x62: {  	s16 =	sadd.s32 $0x38F0, s16  }
0x63: {  	[tilespmem:s16], [sflag:$0x1] =	stream.indirect_vreg.gather [hbm:s4], $0x80, v0, vm0, $0x38;
	[tilespmem:$0x78F0] =	vst v63  }
0x64: {  	s13 =	sshll.u32 s13, $0x4;
	_ =	swait.ge [sflag:s6], $0x3C00  }
0x65: {  	s13 =	sadd.s32 s13, s9;
	[sflag:s6] =	ssyncset.done $0x0  }
0x66: {  	s17 =	sadd.s32 $0x0, s13;
	s16 =	simm.s32 $0x80;
	[sflag:s6] =	ssyncadd.s32 $0xFFFFC400  }
.LBB2_5:
0x67: {  	[hbm:s17] =	stream.linear.scatter [tilespmem:s14], [sflag:$0x3], $0x400, $0x38;
	[tilespmem:$0x78F0] =	vst v63  }
0x68: {  	s17 =	smov.u32 s16;
	s14 =	smov.u32 s15;
	p1 =	sne.s32 s16, $0x700  }
.Ltmp4:
0x69: {  	s16 =	sadd.s32 $0x80, s16;
	(pc) =	sbr.rel @p1 .LBB2_5-.Ltmp4, $2  }
0x6a: {  	_ =	sdelay $0x2  }
0x6b: {  	s15 =	sadd.s32 $0x400, s15;
	s17 =	sadd.s32 s17, s13  }
.Ltmp5:
0x6c: {  	_ = 	snop;
	(pc) =	sbr.rel .LBB2_6-.Ltmp5, $1  }
0x6d: {  	_ =	sdelay $0x3  }
.LBB2_8:
0x6e: {  	_ =	sfence.sel $0x180000  }
0x6f: {  	s2 =	simm.s32 $0x2;
	[bflag:$0x0] =	sbarrier.arrive $0xFFFF  }
0x70: {  	s30 =	simm.s32 $0x3;
	[sflag:s2] =	ssyncpa.u1 $0x1  }
0x71: {  	s31 =	simm.s32 $0x1;
	[sflag:s30] =	ssyncpa.u1 $0x1  }
0x72: {  	[sflag:s31] =	ssyncpa.u1 $0x1  }
0x73: {  	p0 =	sne.s32 s0, $0x0;
	_ =	strace $0x9000004A  }
0x74: {  	s0 =	sadd.s32 @!p0 $0x100000, s1;
	[bflag:$0x2] =	sbarrier.arrive $0xFFFF  }
0x75: {  	[sflag:s0] =	ssyncadd.tile.s32 @!p0 $0x1;
	_ =	shalt  }
.Lfunc_end2:
_tile_overlayer_lowered:
.L_overlay_start_2:
0x76: {  	(tag) =	ssettag $0x2  }
0x77: {  	s0 =	rddreg [dreg:$0x0];
	s2 =	stileid.u32  }
0x78: {  	s1 =	rddreg [dreg:$0x1];
	p0 =	sne.s32 s2, $0x0  }
0x79: {  	s3 =	rddreg [dreg:$0x2];
	[bflag:$0x3] =	sbarrier.arrive $0xFFFF;
	s2 =	simm.s32 @!p0 $0x1C01  }
0x7a: {  	[timem:s3], [sflag:s2] =	dma.local @!p0 [hbm:s0], s1  }
0x7b: {  	s0 =	simm.s32 @!p0 $0x1  }
0x7c: {  	_ =	swait.ge @!p0 [sflag:s0], s1  }
0x7d: {  	s1 =	ssub.s32 @!p0 $0x0, s1;
	[sflag:s0] =	ssyncset.done @!p0 $0x0  }
0x7e: {  	[sflag:s0] =	ssyncadd.s32 @!p0 s1  }
0x7f: {  	[bflag:$0x3] =	sbarrier.arrive $0xFFFF  }
0x80: {  	_ =	shalt  }

// kernel: kernel.5.cloned.1.call-start
scs
__scs_entry_jumppad:
0x0: {  	(pc) =	sbr.rel $0x88, $3  }
0x1: {  	(tag) =	ssettag $0x0;
	lr =	simm.s32 $0x1  }
0x2: {  	[smem:$0x3F9F] =	sst lr;
	_ =	strace $0xD0000000  }
0x3: {  	_ = 	snop  }
0x4: {  	_ = 	snop  }
0x5: {  	_ = 	snop  }
0x6: {  	_ = 	snop  }
0x7: {  	_ = 	snop  }
__scs_overlays_trampoline_lowered:
0x8: {  	[smem:$0x3FAE] =	sst s0  }
0x9: {  	[smem:$0x3FAF] =	sst s1  }
0xa: {  	[smem:$0x3FB0] =	sst s2  }
0xb: {  	[smem:$0x3FB1] =	sst s3  }
0xc: {  	[smem:$0x3FB2] =	sst s4  }
0xd: {  	[smem:$0x3FB3] =	sst s5  }
0xe: {  	[smem:$0x3FB4] =	sst s6  }
0xf: {  	[smem:$0x3FB5] =	sst s7  }
0x10: {  	[smem:$0x3FB6] =	sst s8  }
0x11: {  	[smem:$0x3FB7] =	sst s9;
	s0 =	simm.s32 @!p0 $0x0  }
0x12: {  	s1 =	sld [smem:$0x3F9D];
	s0 =	simm.s32 @p0 $0x1  }
0x13: {  	[smem:$0x3FB8] =	sst s0;
	s0 =	simm.s32 @!p1 $0x0  }
0x14: {  	s2 =	sld [smem:$0x3F9C];
	s0 =	simm.s32 @p1 $0x1  }
0x15: {  	[smem:$0x3FB9] =	sst s0;
	s0 =	simm.s32 @!p2 $0x0  }
0x16: {  	s3 =	sld [smem:$0x3FDB];
	s0 =	simm.s32 @p2 $0x1  }
0x17: {  	s4 =	simm.s32 $0x1BF5;
	[smem:$0x3FBB] =	sst s0  }
0x18: {  	s0 =	sld [smem:$0x3F9E];
	_ =	swait.ge [sflag:s4], $0x0  }
0x19: {  	s7 =	sld [smem:$0x3F9F]  }
0x1a: {  	s8 =	sadd.s32 $0xFFFFE003, lr  }
0x1b: {  	s9 =	sadd.s32 $0xFFFFFEF7, lr;
	s5 =	simm.s32 $0xFFFFFFFF;
	p2 =	slt.u32 s8, $0xFFFFF086  }
0x1c: {  	p1 =	slt.u32 s9, $0xF7A;
	s5 =	simm.s32 @!p2 $0x0  }
0x1d: {  	s5 =	simm.s32 @p1 $0x1;
	p0 =	seq.s32 s7, s2  }
0x1e: {  	s7 =	smul.u32 @!p0 $0xF7A, s2;
	p2 =	seq.s32 @!p0 s5, $0x0  }
0x1f: {  	s9 =	smul.u32 $0xF7A, s1;
	s8 =	simm.s32 @!p0 $0x1BF5;
	p2 =	por !p2, p0  }
0x20: {  	[sflag:s8] =	ssyncset.s32 @!p0 $0xFFFFF086;
	s6 =	sadd.s32 @!p0 s3, s7;
	s7 =	simm.s32 @!p0 $0x108  }
0x21: {  	s3 =	sadd.s32 s3, s9;
	s6 =	sadd.s32 @!p0 $0x88, s6;
	s7 =	simm.s32 @p2 $0x1082  }
0x22: {  	[simem:s7], [sflag:s8] =	dma.local @!p0 [hbm:s6], $0xF7A  }
0x23: {  	s9 =	sor.u32 $0xD0000000, s2;
	s6 =	simm.s32 $0x108;
	_ =	swait.ge @!p0 [sflag:s8], $0x0  }
0x24: {  	s3 =	sadd.s32 $0x88, s3;
	s6 =	simm.s32 @!p1 $0x1082;
	[sflag:s4] =	ssyncset.s32 $0xFFFFF086  }
0x25: {  	[simem:s6], [sflag:s4] =	dma.local [hbm:s3], $0xF7A  }
0x26: {  	[smem:$0x3F9F] =	sst s1;
	(tag) =	ssettag s2;
	_ =	strace s9  }
0x27: {  	s1 =	sld [smem:$0x3FAF]  }
0x28: {  	s2 =	sld [smem:$0x3FB0]  }
0x29: {  	s4 =	sld [smem:$0x3FB2]  }
0x2a: {  	p0 =	seq.s32 s5, $0x0;
	s5 =	sld [smem:$0x3FB3]  }
0x2b: {  	s6 =	sld [smem:$0x3FB4]  }
0x2c: {  	s7 =	sld [smem:$0x3FB5]  }
0x2d: {  	s3 =	simm.s32 $0x108;
	s8 =	sld [smem:$0x3FB6]  }
0x2e: {  	s3 =	simm.s32 @!p0 $0x1082;
	s9 =	sld [smem:$0x3FB7]  }
0x2f: {  	lr =	sadd.s32 s0, s3;
	s0 =	sld [smem:$0x3FAE]  }
0x30: {  	s3 =	sld [smem:$0x3FB1]  }
0x31: {  	[smem:$0x3FBA] =	sst s10  }
0x32: {  	s10 =	sld [smem:$0x3FB8];
	_ =	sdelay $0x3  }
0x33: {  	p0 =	seq.s32 s10, $0x1;
	s10 =	sld [smem:$0x3FBA];
	_ =	sdelay $0x3  }
0x34: {  	[smem:$0x3FBA] =	sst s10  }
0x35: {  	s10 =	sld [smem:$0x3FB9];
	_ =	sdelay $0x3  }
0x36: {  	p1 =	seq.s32 s10, $0x1;
	s10 =	sld [smem:$0x3FBA];
	_ =	sdelay $0x3  }
0x37: {  	[smem:$0x3FBA] =	sst s10  }
0x38: {  	s10 =	sld [smem:$0x3FBB]  }
0x39: {  	_ = 	snop;
	(pc) =	sbr.ind lr, $3  }
0x3a: {  	_ = 	snop  }
0x3b: {  	_ = 	snop  }
0x3c: {  	p2 =	seq.s32 s10, $0x1;
	s10 =	sld [smem:$0x3FBA]  }
0x3d: {  	_ =	shalt  }
0x3e: {  	_ =	shalt  }
0x3f: {  	_ =	shalt  }
0x40: {  	_ =	shalt  }
0x41: {  	_ =	shalt  }
0x42: {  	_ =	shalt  }
0x43: {  	_ =	shalt  }
0x44: {  	_ =	shalt  }
0x45: {  	_ =	shalt  }
0x46: {  	_ =	shalt  }
0x47: {  	_ =	shalt  }
0x48: {  	_ =	shalt  }
0x49: {  	_ =	shalt  }
0x4a: {  	_ =	shalt  }
0x4b: {  	_ =	shalt  }
0x4c: {  	_ =	shalt  }
0x4d: {  	_ =	shalt  }
0x4e: {  	_ =	shalt  }
0x4f: {  	_ =	shalt  }
0x50: {  	_ =	shalt  }
0x51: {  	_ =	shalt  }
0x52: {  	_ =	shalt  }
0x53: {  	_ =	shalt  }
0x54: {  	_ =	shalt  }
0x55: {  	_ =	shalt  }
0x56: {  	_ =	shalt  }
0x57: {  	_ =	shalt  }
0x58: {  	_ =	shalt  }
0x59: {  	_ =	shalt  }
0x5a: {  	_ =	shalt  }
0x5b: {  	_ =	shalt  }
0x5c: {  	_ =	shalt  }
0x5d: {  	_ =	shalt  }
0x5e: {  	_ =	shalt  }
0x5f: {  	_ =	shalt  }
0x60: {  	_ =	shalt  }
0x61: {  	_ =	shalt  }
0x62: {  	_ =	shalt  }
0x63: {  	_ =	shalt  }
0x64: {  	_ =	shalt  }
0x65: {  	_ =	shalt  }
0x66: {  	_ =	shalt  }
0x67: {  	_ =	shalt  }
0x68: {  	_ =	shalt  }
0x69: {  	_ =	shalt  }
0x6a: {  	_ =	shalt  }
0x6b: {  	_ =	shalt  }
0x6c: {  	_ =	shalt  }
0x6d: {  	_ =	shalt  }
0x6e: {  	_ =	shalt  }
0x6f: {  	_ =	shalt  }
0x70: {  	_ =	shalt  }
0x71: {  	_ =	shalt  }
0x72: {  	_ =	shalt  }
0x73: {  	_ =	shalt  }
0x74: {  	_ =	shalt  }
0x75: {  	_ =	shalt  }
0x76: {  	_ =	shalt  }
0x77: {  	_ =	shalt  }
0x78: {  	_ =	shalt  }
0x79: {  	_ =	shalt  }
0x7a: {  	_ =	shalt  }
0x7b: {  	_ =	shalt  }
0x7c: {  	_ =	shalt  }
0x7d: {  	_ =	shalt  }
0x7e: {  	_ =	shalt  }
0x7f: {  	_ =	shalt  }
0x80: {  	_ =	shalt  }
0x81: {  	_ =	shalt  }
0x82: {  	_ =	shalt  }
0x83: {  	_ =	shalt  }
0x84: {  	_ =	shalt  }
0x85: {  	_ =	shalt  }
0x86: {  	_ =	shalt  }
0x87: {  	_ =	shalt  }
.Lfunc_end0:
.L_simem_size_0:
called_computation.2_lowered:
.L_overlay_start_0:
0x88: {  	s2 =	sld [smem:$0x3FD9]  }
0x89: {  	s3 =	sld [smem:$0x3FFE];
	_ =	sdelay $0x1  }
0x8a: {  	s1 =	srdreg.scid  }
0x8b: {  	s0 =	sand.u32 $0x1, s1  }
0x8c: {  	s16 =	sshll.u32 s0, $0xA;
	s2 =	sadd.s32 s3, s2  }
0x8d: {  	s2 =	sadd.s32 s2, s16  }
0x8e: {  	[smem:$0x3FC6] =	sst s2  }
0x8f: {  	_ = 	snop  }
0x90: {  	(tm) =	ssettm $0x1  }
0x91: {  	s17 =	sld [smem:$0x3FFB];
	_ =	sdelay $0x3  }
0x92: {  	_ =	strace s17  }
0x93: {  	s2 =	sld [smem:$0x3FFC];
	_ =	sdelay $0x3  }
0x94: {  	_ =	strace s2  }
0x95: {  	s2 =	sld [smem:$0x3FFD];
	_ =	sdelay $0x3  }
0x96: {  	_ =	strace s2  }
0x97: {  	_ =	strace $0x8FFFFFFF  }
0x98: {  	s18 =	sld [smem:$0x3FDB];
	_ =	sdelay $0x1  }
0x99: {  	s19 =	simm.s32 $_scs_section_size  }
0x9a: {  	s4 =	simm.s32 $_size__tile_overlayer_lowered;
	s5 =	simm.s32 $_tile_overlayer_lowered  }
0x9b: {  	s22 =	simm.s32 $0x1BFF;
	s21 =	sshll.u32 s5, $0x1;
	s2 =	sadd.s32 s19, s18  }
0x9c: {  	s6 =	simm.s32 $0x0;
	s20 =	sshll.u32 s4, $0x1;
	s4 =	sadd.s32 s21, s2  }
0x9d: {  	[timem:s6], [sflag:s22] =	dma.local [hbm:s4], s20  }
0x9e: {  	_ =	swait.ge [sflag:s22], s20  }
0x9f: {  	s3 =	ssub.s32 $0x0, s20;
	[sflag:s22] =	ssyncset.done $0x0  }
0xa0: {  	[sflag:s22] =	ssyncadd.s32 s3;
	_ =	sdelay $0x1  }
0xa1: {  	s23 =	simm.s32 $0x1B8B  }
0xa2: {  	_ =	swait.ge [sflag:s23], $0x1  }
0xa3: {  	[sflag:s23] =	ssyncset.done $0x0  }
0xa4: {  	s25 =	simm.s32 $0x1B8E;
	s24 =	sld [smem:$0x3FFE];
	[sflag:s23] =	ssyncadd.s32 $0xFFFFFFFF  }
0xa5: {  	s26 =	simm.s32 $execute0_lowered;
	[smem:$0x3FD2] =	sst s25  }
0xa6: {  	s4 =	sshll.u32 s26, $0x1;
	_ =	strace $0x80000046;
	[dreg:$0x1] =	wrdreg $0xFFFFFFFF  }
0xa7: {  	s28 =	simm.s32 $_size_execute0_lowered;
	s2 =	sadd.s32 s2, s4;
	[dreg:$0x0] =	wrdreg $0x0  }
0xa8: {  	s4 =	sshll.u32 s28, $0x1;
	[dreg:$0x2] =	wrdreg s2  }
0xa9: {  	[dreg:$0x3] =	wrdreg s4  }
0xaa: {  	[dreg:$0x4] =	wrdreg $0xC0  }
0xab: {  	_ =	task [dreg:s6], $0x5FFFF  }
0xac: {  	[dreg:$0x1] =	wrdreg $0xFFFFFFFF  }
0xad: {  	[dreg:$0x0] =	wrdreg $0x60  }
0xae: {  	[dreg:$0x2] =	wrdreg s24  }
0xaf: {  	[dreg:$0x3] =	wrdreg $0x9  }
0xb0: {  	_ =	task.clear_ibuf [dreg:s6], $0x4FFFF;
	_ =	strace $0x90000046  }
0xb1: {  	s29 =	simm.s32 $0x9;
	_ =	strace $0x80000048  }
0xb2: {  	_ =	swait.ge [sflag:s29], $0x1  }
0xb3: {  	[sflag:s29] =	ssyncadd.s32 $0xFFFFFFFF  }
0xb4: {  	_ =	strace $0x90000048  }
0xb5: {  	_ =	sfence  }
0xb6: {  	s30 =	sld [smem:$0x0];
	_ =	sdelay $0x2  }
0xb7: {  	s31 =	sshll.u32 s1, $0xD;
	s1 =	sshrl.u32 s1, $0x2  }
0xb8: {  	s3 =	sand.u32 $0x4000, s31;
	s1 =	sadd.s32 s1, s30  }
0xb9: {  	s0 =	sor.u32 s3, s0;
	s1 =	sshll.u32 s1, $0x11  }
0xba: {  	s0 =	sor.u32 s1, s0  }
0xbb: {  	s0 =	sadd.s32 $0x8F2B, s0  }
0xbc: {  	[sflag:s0] =	ssyncadd.remote.s32 $0x1  }
0xbd: {  	_ =	sfence.sel $0xFFFF  }
0xbe: {  	[dreg:$0x0] =	wrdreg $0xFFFFFFFF;
	(pc) =	sbr.abs _section_cstart, $3  }
0xbf: {  	[dreg:$0x1] =	wrdreg $0xFFFFFFFF  }
0xc0: {  	_ =	task.clear_ibuf [dreg:s6], $0x2FFFF;
	_ =	strace $0x9FFFFFFF  }
0xc1: {  	(tm) =	ssettm $0x7FFFFFFF  }
tec
execute0_lowered:
.L_overlay_start_1:
0x0: {  	(tag) =	ssettag $0x1  }
0x1: {  	s1 =	srdreg.scid;
	s0 =	stileid.u32  }
0x2: {  	s8 =	rddreg [dreg:$0x0];
	s2 =	simm.s32 $0x0;
	s6 =	sand.u32 $0x1, s1  }
0x3: {  	s3 =	sshll.u32 s0, $0x9;
	s1 =	rddreg [dreg:$0x1];
	s4 =	sshll.u32 s6, $0x8  }
0x4: {  	s7 =	simm.s32 $0x1;
	[smem:$0x7FF] =	sst s2;
	s9 =	sor.u32 s4, s3  }
0x5: {  	s5 =	sadd.s32 $0x400, s8;
	_ =	strace $0x80000047;
	s3 =	sshrl.u32 s9, $0x3  }
0x6: {  	s10 =	ssub.s32 $0x2, s6;
	s4 =	sadd.s32 s8, s3;
	s3 =	simm.s32 $0x2  }
0x7: {  	[tilespmem:s2], [sflag:$0x2] =	stream.linear.gather [hbm4b:s4+s2], $0x100, $0x38;
	[tilespmem:$0x8100] =	vst v63  }
0x8: {  	s6 =	simm.s32 $0x100;
	s11 =	sshrl.u32 s10, $0x1;
	_ =	swait.ge [sflag:s3], $0x100  }
0x9: {  	s9 =	sshll.u32 s9, $0x4;
	s31 =	ssub.s32 s10, s11;
	[sflag:s3] =	ssyncset.done $0x0  }
0xa: {  	s8 =	sadd.s32 s9, s8;
	s9 =	smax.u32 s31, $0x1;
	[sflag:s3] =	ssyncadd.s32 $0xFFFFFF00  }
0xb: {  	[tilespmem:s6], [sflag:$0x1] =	stream.indirect.gather [hbm4b:s5+s6], $0x80, s2, s6, $0xb8;
	[tilespmem:$0x8100] =	vst v63  }
0xc: {  	p0 =	sne.s32 s9, $0x1;
	_ =	swait.ge [sflag:s7], $0x8000  }
.Ltmp0:
0xd: {  	[sflag:s7] =	ssyncset.done $0x0;
	(pc) =	sbr.rel @!p0 .LBB2_2-.Ltmp0, $4  }
0xe: {  	s8 =	sadd.s32 $0x13E00, s8;
	[sflag:s7] =	ssyncadd.s32 $0xFFFF8000  }
0xf: {  	[hbm4b:s8+s2] =	stream.linear.scatter [tilespmem:s6], [sflag:$0x2], $0x8000, $0x38;
	[tilespmem:$0x8100] =	vst v63  }
0x10: {  	_ =	swait.ge [sflag:s3], $0x8000  }
0x11: {  	s9 =	sadd.s32 $0xFFFFFFFF, s9;
	[sflag:s3] =	ssyncset.done $0x0  }
.LBB2_1:
0x12: {  	p0 =	sne.s32 s9, $0x1;
	s9 =	sadd.s32 $0xFFFFFFFF, s9;
	[sflag:s3] =	ssyncadd.s32 $0xFFFF8000  }
0x13: {  	[tilespmem:s2], [sflag:$0x2] =	stream.linear.gather [hbm4b:s4+s2], $0x100, $0x38;
	[tilespmem:$0x8100] =	vst v63  }
0x14: {  	_ =	swait.ge [sflag:s3], $0x100  }
0x15: {  	[sflag:s3] =	ssyncset.done $0x0  }
0x16: {  	[sflag:s3] =	ssyncadd.s32 $0xFFFFFF00  }
0x17: {  	[tilespmem:s6], [sflag:$0x1] =	stream.indirect.gather [hbm4b:s5+s6], $0x80, s2, s6, $0xb8;
	[tilespmem:$0x8100] =	vst v63  }
0x18: {  	_ =	swait.ge [sflag:s7], $0x8000  }
.Ltmp1:
0x19: {  	[sflag:s7] =	ssyncset.done $0x0;
	(pc) =	sbr.rel @p0 .LBB2_1-.Ltmp1, $4  }
0x1a: {  	[sflag:s7] =	ssyncadd.s32 $0xFFFF8000  }
0x1b: {  	[hbm4b:s8+s2] =	stream.linear.scatter [tilespmem:s6], [sflag:$0x2], $0x8000, $0x38;
	[tilespmem:$0x8100] =	vst v63  }
0x1c: {  	_ =	swait.ge [sflag:s3], $0x8000  }
0x1d: {  	[sflag:s3] =	ssyncset.done $0x0  }
.LBB2_2:
0x1e: {  	[sflag:s3] =	ssyncadd.s32 $0xFFFF8000  }
0x1f: {  	_ =	sfence.sel $0x180000  }
0x20: {  	[bflag:$0x0] =	sbarrier.arrive $0xFFFF  }
0x21: {  	p0 =	sne.s32 s0, $0x0;
	_ =	strace $0x90000047  }
0x22: {  	s0 =	sadd.s32 @!p0 $0x100000, s1;
	[bflag:$0x2] =	sbarrier.arrive $0xFFFF  }
0x23: {  	[sflag:s0] =	ssyncadd.tile.s32 @!p0 $0x1;
	_ =	shalt  }
.Lfunc_end2:
_tile_overlayer_lowered:
.L_overlay_start_2:
0x24: {  	(tag) =	ssettag $0x2  }
0x25: {  	s0 =	rddreg [dreg:$0x0];
	s2 =	stileid.u32  }
0x26: {  	s1 =	rddreg [dreg:$0x1];
	p0 =	sne.s32 s2, $0x0  }
0x27: {  	s3 =	rddreg [dreg:$0x2];
	[bflag:$0x3] =	sbarrier.arrive $0xFFFF;
	s2 =	simm.s32 @!p0 $0x1C02  }
0x28: {  	[timem:s3], [sflag:s2] =	dma.local @!p0 [hbm:s0], s1  }
0x29: {  	s0 =	simm.s32 @!p0 $0x2  }
0x2a: {  	_ =	swait.ge @!p0 [sflag:s0], s1  }
0x2b: {  	s1 =	ssub.s32 @!p0 $0x0, s1;
	[sflag:s0] =	ssyncset.done @!p0 $0x0  }
0x2c: {  	[sflag:s0] =	ssyncadd.s32 @!p0 s1  }
0x2d: {  	[bflag:$0x3] =	sbarrier.arrive $0xFFFF  }
0x2e: {  	_ =	shalt  }

</sc_bundles>
